<compile_context>
chip_gen: v7x
topology: tpu7x:2x2x1
jax: 0.10.2.dev20260603
libtpu: 0.0.44.dev20260713+nightly
codegen_flags: <defaults>
</compile_context>

<pallas_src>
import functools

import jax
import jax.numpy as jnp
from jax import lax
from jax.experimental import pallas as pl
from jax.experimental.pallas import tpu as pltpu
from jax.experimental.pallas import tpu_sc as plsc

B, T, V = 1024, 50, 1000
BT = B * T
VPAD = 1024

NC, NS = 2, 16
NW = NC * NS
PER_W = BT // NW
W = 16
NCH = PER_W // W


def _sc_gather(tablep, idx_flat):
    mesh = plsc.VectorSubcoreMesh(core_axis_name="c", subcore_axis_name="s")

    @functools.partial(
        pl.kernel,
        mesh=mesh,
        out_type=jax.ShapeDtypeStruct((BT, VPAD), jnp.float32),
        scratch_types=[
            pltpu.VMEM((PER_W,), jnp.int32),
            pltpu.VMEM((W, VPAD), jnp.float32),
            pltpu.VMEM((W, VPAD), jnp.float32),
            pltpu.VMEM((W, VPAD), jnp.float32),
            pltpu.VMEM((W, VPAD), jnp.float32),
            pltpu.SemaphoreType.DMA,
            pltpu.SemaphoreType.DMA,
            pltpu.SemaphoreType.DMA,
            pltpu.SemaphoreType.DMA,
            pltpu.SemaphoreType.DMA,
            pltpu.SemaphoreType.DMA,
            pltpu.SemaphoreType.DMA,
            pltpu.SemaphoreType.DMA,
        ],
    )
    def k(table_hbm, idx_hbm, out_hbm, idx_v,
          b0, b1, b2, b3, g0, g1, g2, g3, w0, w1, w2, w3):
        wid = lax.axis_index("s") * NC + lax.axis_index("c")
        base = wid * PER_W
        pltpu.sync_copy(idx_hbm.at[pl.ds(base, PER_W)], idx_v)

        def start_gather(kk, buf, sem):
            off = pl.multiple_of(kk * W, 8)
            pltpu.async_copy(table_hbm.at[idx_v.at[pl.ds(off, W)]], buf, sem)

        def wait_gather(buf, sem):
            pltpu.make_async_copy(
                table_hbm.at[idx_v.at[pl.ds(0, W)]], buf, sem).wait()

        def start_write(kk, buf, sem):
            off = pl.multiple_of(kk * W, 8)
            pltpu.async_copy(buf, out_hbm.at[pl.ds(base + off, W)], sem)

        def wait_write(buf, sem):
            pltpu.make_async_copy(buf, out_hbm.at[pl.ds(base, W)], sem).wait()

        start_gather(0, b0, g0)
        start_gather(1, b1, g1)

        @pl.loop(0, NCH, step=4)
        def _(u):
            wait_gather(b0, g0)
            start_write(u, b0, w0)

            @pl.when(u > 0)
            def _():
                wait_write(b2, w2)

            start_gather(u + 2, b2, g2)

            wait_gather(b1, g1)
            start_write(u + 1, b1, w1)

            @pl.when(u > 0)
            def _():
                wait_write(b3, w3)

            start_gather(u + 3, b3, g3)

            wait_gather(b2, g2)
            start_write(u + 2, b2, w2)
            wait_write(b0, w0)

            @pl.when(u + 4 < NCH)
            def _():
                start_gather(u + 4, b0, g0)

            wait_gather(b3, g3)
            start_write(u + 3, b3, w3)
            wait_write(b1, w1)

            @pl.when(u + 4 < NCH)
            def _():
                start_gather(u + 5, b1, g1)

        wait_write(b2, w2)
        wait_write(b3, w3)

    return k(tablep, idx_flat)


CHUNK = 1024
NCHUNK = BT // CHUNK


def _tc_loss(table, idx3):
    def body(table_ref, idx_ref, loss_ref, pv_ref):
        i = pl.program_id(0)

        @pl.when(i == 0)
        def _():
            t = table_ref[...]
            m = jnp.max(t, axis=1, keepdims=True)
            s = jnp.sum(jnp.exp(t - m), axis=1, keepdims=True)
            lse = m + jnp.log(s)
            r = lax.broadcasted_iota(jnp.int32, (V, V), 0)
            c = lax.broadcasted_iota(jnp.int32, (V, V), 1)
            d = jnp.sum(jnp.where(r == c, t, 0.0), axis=1, keepdims=True)
            pv = jnp.reshape(lse - d, (1, V))
            pv_ref[0:1, 0:V] = pv
            pv_ref[0:1, V:VPAD] = jnp.zeros((1, VPAD - V), jnp.float32)
            loss_ref[...] = jnp.zeros((1, 1), jnp.float32)

        idxc = idx_ref[0]
        viota = lax.broadcasted_iota(jnp.int32, (1, VPAD), 1)
        eq = idxc == viota
        contrib = jnp.sum(jnp.where(eq, pv_ref[...], 0.0))
        loss_ref[...] = loss_ref[...] + contrib

        @pl.when(i == NCHUNK - 1)
        def _():
            loss_ref[...] = loss_ref[...] / float(BT)

    return pl.pallas_call(
        body,
        grid=(NCHUNK,),
        in_specs=[
            pl.BlockSpec((V, V), lambda i: (0, 0)),
            pl.BlockSpec((1, CHUNK, 1), lambda i: (i, 0, 0)),
        ],
        out_specs=pl.BlockSpec((1, 1), lambda i: (0, 0)),
        out_shape=jax.ShapeDtypeStruct((1, 1), jnp.float32),
        scratch_shapes=[pltpu.VMEM((1, VPAD), jnp.float32)],
    )(table, idx3)


def kernel(idx, targets, table):
    del targets
    idx_flat = idx.reshape(BT)
    tablep = jnp.pad(table, ((0, 0), (0, VPAD - V)))
    logitsp = _sc_gather(tablep, idx_flat)
    idx3 = idx_flat.reshape(NCHUNK, CHUNK, 1)
    loss = _tc_loss(table, idx3)
    logits = lax.slice(logitsp, (0, 0), (BT, V))
    return (logits, loss.reshape(()))

# --- scband reference (transcript-rebuilt; emitter-appended) ---
"""Pipeline reference for scband-bigram-language-model-55551107006815 (READ-ONLY COPY).

The authoritative reference and input builder live on the scoring server;
editing this copy changes nothing except your own understanding.
"""

import jax, jax.numpy as jnp
import numpy as np

B, T, V = 1024, 50, 1000

def setup_inputs(seed: int = 0) -> dict:
    key = jax.random.key(seed)
    k1, k2, k3 = jax.random.split(key, 3)
    idx = jax.random.randint(k1, (B, T), 0, V, dtype=jnp.int32)
    targets = jax.random.randint(k2, (B, T), 0, V, dtype=jnp.int32)
    # learned parameter: token_embedding_table of shape [vocab_size, vocab_size]
    table = jax.random.normal(k3, (V, V), dtype=jnp.float32)
    return {"idx": idx, "targets": targets, "table": table}

def reference(idx, targets, table):
    # targets is not None branch of the torch forward
    logits = jnp.take(table, idx, axis=0)  # [B, T, C] embedding lookup
    b, t, c = logits.shape
    logits = logits.reshape(b * t, c)
    # NOTE: the original torch code uses idx (not the passed targets) as the CE target
    tgt = idx.reshape(b * t)
    logp = jax.nn.log_softmax(logits, axis=-1)
    nll = -jnp.take_along_axis(logp, tgt[:, None], axis=1)[:, 0]
    loss = jnp.mean(nll)
    return (logits, loss)

if False:  # reference __main__ guard neutralized (emitter)
    inp = setup_inputs()
    out = reference(**inp)
    print(out[0].shape, out[1])

if __name__ == "__main__":
    import jax
    _d = setup_inputs()
    print(jax.jit(kernel)(*tuple(_d.values())))

</pallas_src>

<mosaic_0001>
#map = affine_map<(d0, d1) -> (0, 0)>
#map1 = affine_map<(d0, d1) -> (0)>
module attributes {stable_mosaic.version = 14 : i64} {
  func.func @k(%arg0: i32, %arg1: i32, %arg2: memref<1000x1024xf32, #tpu.memory_space<hbm>>, %arg3: memref<51200xi32, #tpu.memory_space<hbm>>, %arg4: memref<51200x1024xf32, #tpu.memory_space<hbm>>, %arg5: memref<1600xi32, #tpu.memory_space<vmem>>, %arg6: memref<16x1024xf32, #tpu.memory_space<vmem>>, %arg7: memref<16x1024xf32, #tpu.memory_space<vmem>>, %arg8: memref<16x1024xf32, #tpu.memory_space<vmem>>, %arg9: memref<16x1024xf32, #tpu.memory_space<vmem>>, %arg10: memref<!tpu.dma_semaphore, #tpu.memory_space<semaphore_mem>>, %arg11: memref<!tpu.dma_semaphore, #tpu.memory_space<semaphore_mem>>, %arg12: memref<!tpu.dma_semaphore, #tpu.memory_space<semaphore_mem>>, %arg13: memref<!tpu.dma_semaphore, #tpu.memory_space<semaphore_mem>>, %arg14: memref<!tpu.dma_semaphore, #tpu.memory_space<semaphore_mem>>, %arg15: memref<!tpu.dma_semaphore, #tpu.memory_space<semaphore_mem>>, %arg16: memref<!tpu.dma_semaphore, #tpu.memory_space<semaphore_mem>>, %arg17: memref<!tpu.dma_semaphore, #tpu.memory_space<semaphore_mem>>) attributes {dimension_semantics = [#tpu.dimension_semantics<core_parallel>, #tpu.dimension_semantics<subcore_parallel>], iteration_bounds = array<i64: 2, 16>, scalar_prefetch = 0 : i64, scratch_operands = 13 : i64, tpu.core_type = #tpu.core_type<sc_vector_subcore>, window_params = [{transform_indices = #map}, {transform_indices = #map1}, {transform_indices = #map}]} {
    %mul3A = arith.constant 2 : i32
    %mul3A_0 = arith.muli %arg1, %mul3A : i32
    %add3A = arith.addi %mul3A_0, %arg0 : i32
    %mul3A_1 = arith.constant 1600 : i32
    %mul3A_2 = arith.muli %add3A, %mul3A_1 : i32
    "tpu.region"() ({
      %run_scoped3A = tpu.sem_alloc : memref<!tpu.dma_semaphore, #tpu.memory_space<semaphore_mem>>
      %dma_start3A_24 = tpu.memref_slice %arg3[%mul3A_2] : memref<51200xi32, #tpu.memory_space<hbm>> -> memref<1600xi32, #tpu.memory_space<hbm>>
      %dma_start3A_25 = tpu.memref_slice %arg3[%mul3A_2] : memref<51200xi32, #tpu.memory_space<hbm>> -> memref<1600xi32, #tpu.memory_space<hbm>>
      tpu.enqueue_dma source(%dma_start3A_25 : memref<1600xi32, #tpu.memory_space<hbm>>) target(%arg5 : memref<1600xi32, #tpu.memory_space<vmem>>) target_semaphore(%run_scoped3A : memref<!tpu.dma_semaphore, #tpu.memory_space<semaphore_mem>>)
      %dma_wait3A_26 = tpu.memref_slice %arg3[%mul3A_2] : memref<51200xi32, #tpu.memory_space<hbm>> -> memref<1600xi32, #tpu.memory_space<hbm>>
      %dma_wait3A_27 = tpu.memref_slice %arg3[%mul3A_2] : memref<51200xi32, #tpu.memory_space<hbm>> -> memref<1600xi32, #tpu.memory_space<hbm>>
      tpu.wait_dma2 semaphore(%run_scoped3A : memref<!tpu.dma_semaphore, #tpu.memory_space<semaphore_mem>>) src(%dma_wait3A_27 : memref<1600xi32, #tpu.memory_space<hbm>>) dst(%arg5 : memref<1600xi32, #tpu.memory_space<vmem>>)
      tpu.yield
    }) : () -> ()
    %multiple_of3A = arith.constant 0 : i32
    %multiple_of3A_3 = tpu.assume_multiple %multiple_of3A, 8 : i32
    %dma_start3A = tpu.memref_slice %arg5[%multiple_of3A_3] : memref<1600xi32, #tpu.memory_space<vmem>> -> memref<16xi32, #tpu.memory_space<vmem>>
    %dma_start3A_4 = arith.constant 0 : i32
    %dma_start3A_5 = arith.constant 0 : i32
    %dma_start3A_6 = tpu.memref_slice %arg2[%dma_start3A_4, %dma_start3A_5] : memref<1000x1024xf32, #tpu.memory_space<hbm>> -> memref<1000x1024xf32, #tpu.memory_space<hbm>>
    tpu.enqueue_indirect_dma source(%dma_start3A_6 : memref<1000x1024xf32, #tpu.memory_space<hbm>>) target(%arg6 : memref<16x1024xf32, #tpu.memory_space<vmem>>) offsets(%dma_start3A : memref<16xi32, #tpu.memory_space<vmem>>) semaphore(%arg10 : memref<!tpu.dma_semaphore, #tpu.memory_space<semaphore_mem>>)
    %multiple_of3A_7 = arith.constant 16 : i32
    %multiple_of3A_8 = tpu.assume_multiple %multiple_of3A_7, 8 : i32
    %dma_start3A_9 = tpu.memref_slice %arg5[%multiple_of3A_8] : memref<1600xi32, #tpu.memory_space<vmem>> -> memref<16xi32, #tpu.memory_space<vmem>>
    %dma_start3A_10 = arith.constant 0 : i32
    %dma_start3A_11 = arith.constant 0 : i32
    %dma_start3A_12 = tpu.memref_slice %arg2[%dma_start3A_10, %dma_start3A_11] : memref<1000x1024xf32, #tpu.memory_space<hbm>> -> memref<1000x1024xf32, #tpu.memory_space<hbm>>
    tpu.enqueue_indirect_dma source(%dma_start3A_12 : memref<1000x1024xf32, #tpu.memory_space<hbm>>) target(%arg7 : memref<16x1024xf32, #tpu.memory_space<vmem>>) offsets(%dma_start3A_9 : memref<16xi32, #tpu.memory_space<vmem>>) semaphore(%arg11 : memref<!tpu.dma_semaphore, #tpu.memory_space<semaphore_mem>>)
    %scan3A = arith.constant 0 : i32
    %scan3A_13 = arith.constant 25 : i32
    %scan3A_14 = arith.addi %scan3A, %scan3A_13 : i32
    %scan3A_15 = arith.constant 1 : i32
    scf.for %scan3A_24 = %scan3A to %scan3A_14 step %scan3A_15  : i32 {
      %mul3A_25 = arith.constant 4 : i32
      %mul3A_26 = arith.muli %scan3A_24, %mul3A_25 : i32
      %add3A_27 = arith.constant 0 : i32
      %add3A_28 = arith.addi %add3A_27, %mul3A_26 : i32
      %dma_wait3A_29 = arith.constant 0 : i32
      %dma_wait3A_30 = tpu.memref_slice %arg5[%dma_wait3A_29] : memref<1600xi32, #tpu.memory_space<vmem>> -> memref<16xi32, #tpu.memory_space<vmem>>
      %dma_wait3A_31 = arith.constant 0 : i32
      %dma_wait3A_32 = arith.constant 0 : i32
      %dma_wait3A_33 = tpu.memref_slice %arg2[%dma_wait3A_31, %dma_wait3A_32] : memref<1000x1024xf32, #tpu.memory_space<hbm>> -> memref<1000x1024xf32, #tpu.memory_space<hbm>>
      tpu.wait_indirect_dma semaphore(%arg10 : memref<!tpu.dma_semaphore, #tpu.memory_space<semaphore_mem>>) src(%dma_wait3A_33 : memref<1000x1024xf32, #tpu.memory_space<hbm>>) dst(%arg6 : memref<16x1024xf32, #tpu.memory_space<vmem>>)
      %mul3A_34 = arith.constant 16 : i32
      %mul3A_35 = arith.muli %add3A_28, %mul3A_34 : i32
      %multiple_of3A_36 = tpu.assume_multiple %mul3A_35, 8 : i32
      %add3A_37 = arith.addi %mul3A_2, %multiple_of3A_36 : i32
      %dma_start3A_38 = arith.constant 0 : i32
      %dma_start3A_39 = tpu.memref_slice %arg4[%add3A_37, %dma_start3A_38] : memref<51200x1024xf32, #tpu.memory_space<hbm>> -> memref<16x1024xf32, #tpu.memory_space<hbm>>
      %dma_start3A_40 = arith.constant 0 : i32
      %dma_start3A_41 = tpu.memref_slice %arg4[%add3A_37, %dma_start3A_40] : memref<51200x1024xf32, #tpu.memory_space<hbm>> -> memref<16x1024xf32, #tpu.memory_space<hbm>>
      tpu.enqueue_dma source(%arg6 : memref<16x1024xf32, #tpu.memory_space<vmem>>) target(%dma_start3A_41 : memref<16x1024xf32, #tpu.memory_space<hbm>>) target_semaphore(%arg14 : memref<!tpu.dma_semaphore, #tpu.memory_space<semaphore_mem>>)
      %gt3A = arith.constant 0 : i32
      %gt3A_42 = arith.cmpi sgt, %add3A_28, %gt3A : i32
      %convert_element_type3A = arith.extui %gt3A_42 : i1 to i32
      %cond3A = arith.constant 0 : i32
      %cond3A_43 = arith.cmpi ne, %convert_element_type3A, %cond3A : i32
      scf.if %cond3A_43 {
        %dma_wait3A_133 = arith.constant 0 : i32
        %dma_wait3A_134 = tpu.memref_slice %arg4[%mul3A_2, %dma_wait3A_133] : memref<51200x1024xf32, #tpu.memory_space<hbm>> -> memref<16x1024xf32, #tpu.memory_space<hbm>>
        %dma_wait3A_135 = arith.constant 0 : i32
        %dma_wait3A_136 = tpu.memref_slice %arg4[%mul3A_2, %dma_wait3A_135] : memref<51200x1024xf32, #tpu.memory_space<hbm>> -> memref<16x1024xf32, #tpu.memory_space<hbm>>
        tpu.wait_dma2 semaphore(%arg16 : memref<!tpu.dma_semaphore, #tpu.memory_space<semaphore_mem>>) src(%arg8 : memref<16x1024xf32, #tpu.memory_space<vmem>>) dst(%dma_wait3A_136 : memref<16x1024xf32, #tpu.memory_space<hbm>>)
      } else {
      }
      %add3A_44 = arith.constant 2 : i32
      %add3A_45 = arith.addi %add3A_28, %add3A_44 : i32
      %mul3A_46 = arith.constant 16 : i32
      %mul3A_47 = arith.muli %add3A_45, %mul3A_46 : i32
      %multiple_of3A_48 = tpu.assume_multiple %mul3A_47, 8 : i32
      %dma_start3A_49 = tpu.memref_slice %arg5[%multiple_of3A_48] : memref<1600xi32, #tpu.memory_space<vmem>> -> memref<16xi32, #tpu.memory_space<vmem>>
      %dma_start3A_50 = arith.constant 0 : i32
      %dma_start3A_51 = arith.constant 0 : i32
      %dma_start3A_52 = tpu.memref_slice %arg2[%dma_start3A_50, %dma_start3A_51] : memref<1000x1024xf32, #tpu.memory_space<hbm>> -> memref<1000x1024xf32, #tpu.memory_space<hbm>>
      tpu.enqueue_indirect_dma source(%dma_start3A_52 : memref<1000x1024xf32, #tpu.memory_space<hbm>>) target(%arg8 : memref<16x1024xf32, #tpu.memory_space<vmem>>) offsets(%dma_start3A_49 : memref<16xi32, #tpu.memory_space<vmem>>) semaphore(%arg12 : memref<!tpu.dma_semaphore, #tpu.memory_space<semaphore_mem>>)
      %dma_wait3A_53 = arith.constant 0 : i32
      %dma_wait3A_54 = tpu.memref_slice %arg5[%dma_wait3A_53] : memref<1600xi32, #tpu.memory_space<vmem>> -> memref<16xi32, #tpu.memory_space<vmem>>
      %dma_wait3A_55 = arith.constant 0 : i32
      %dma_wait3A_56 = arith.constant 0 : i32
      %dma_wait3A_57 = tpu.memref_slice %arg2[%dma_wait3A_55, %dma_wait3A_56] : memref<1000x1024xf32, #tpu.memory_space<hbm>> -> memref<1000x1024xf32, #tpu.memory_space<hbm>>
      tpu.wait_indirect_dma semaphore(%arg11 : memref<!tpu.dma_semaphore, #tpu.memory_space<semaphore_mem>>) src(%dma_wait3A_57 : memref<1000x1024xf32, #tpu.memory_space<hbm>>) dst(%arg7 : memref<16x1024xf32, #tpu.memory_space<vmem>>)
      %add3A_58 = arith.constant 1 : i32
      %add3A_59 = arith.addi %add3A_28, %add3A_58 : i32
      %mul3A_60 = arith.constant 16 : i32
      %mul3A_61 = arith.muli %add3A_59, %mul3A_60 : i32
      %multiple_of3A_62 = tpu.assume_multiple %mul3A_61, 8 : i32
      %add3A_63 = arith.addi %mul3A_2, %multiple_of3A_62 : i32
      %dma_start3A_64 = arith.constant 0 : i32
      %dma_start3A_65 = tpu.memref_slice %arg4[%add3A_63, %dma_start3A_64] : memref<51200x1024xf32, #tpu.memory_space<hbm>> -> memref<16x1024xf32, #tpu.memory_space<hbm>>
      %dma_start3A_66 = arith.constant 0 : i32
      %dma_start3A_67 = tpu.memref_slice %arg4[%add3A_63, %dma_start3A_66] : memref<51200x1024xf32, #tpu.memory_space<hbm>> -> memref<16x1024xf32, #tpu.memory_space<hbm>>
      tpu.enqueue_dma source(%arg7 : memref<16x1024xf32, #tpu.memory_space<vmem>>) target(%dma_start3A_67 : memref<16x1024xf32, #tpu.memory_space<hbm>>) target_semaphore(%arg15 : memref<!tpu.dma_semaphore, #tpu.memory_space<semaphore_mem>>)
      %gt3A_68 = arith.constant 0 : i32
      %gt3A_69 = arith.cmpi sgt, %add3A_28, %gt3A_68 : i32
      %convert_element_type3A_70 = arith.extui %gt3A_69 : i1 to i32
      %cond3A_71 = arith.constant 0 : i32
      %cond3A_72 = arith.cmpi ne, %convert_element_type3A_70, %cond3A_71 : i32
      scf.if %cond3A_72 {
        %dma_wait3A_133 = arith.constant 0 : i32
        %dma_wait3A_134 = tpu.memref_slice %arg4[%mul3A_2, %dma_wait3A_133] : memref<51200x1024xf32, #tpu.memory_space<hbm>> -> memref<16x1024xf32, #tpu.memory_space<hbm>>
        %dma_wait3A_135 = arith.constant 0 : i32
        %dma_wait3A_136 = tpu.memref_slice %arg4[%mul3A_2, %dma_wait3A_135] : memref<51200x1024xf32, #tpu.memory_space<hbm>> -> memref<16x1024xf32, #tpu.memory_space<hbm>>
        tpu.wait_dma2 semaphore(%arg17 : memref<!tpu.dma_semaphore, #tpu.memory_space<semaphore_mem>>) src(%arg9 : memref<16x1024xf32, #tpu.memory_space<vmem>>) dst(%dma_wait3A_136 : memref<16x1024xf32, #tpu.memory_space<hbm>>)
      } else {
      }
      %add3A_73 = arith.constant 3 : i32
      %add3A_74 = arith.addi %add3A_28, %add3A_73 : i32
      %mul3A_75 = arith.constant 16 : i32
      %mul3A_76 = arith.muli %add3A_74, %mul3A_75 : i32
      %multiple_of3A_77 = tpu.assume_multiple %mul3A_76, 8 : i32
      %dma_start3A_78 = tpu.memref_slice %arg5[%multiple_of3A_77] : memref<1600xi32, #tpu.memory_space<vmem>> -> memref<16xi32, #tpu.memory_space<vmem>>
      %dma_start3A_79 = arith.constant 0 : i32
      %dma_start3A_80 = arith.constant 0 : i32
      %dma_start3A_81 = tpu.memref_slice %arg2[%dma_start3A_79, %dma_start3A_80] : memref<1000x1024xf32, #tpu.memory_space<hbm>> -> memref<1000x1024xf32, #tpu.memory_space<hbm>>
      tpu.enqueue_indirect_dma source(%dma_start3A_81 : memref<1000x1024xf32, #tpu.memory_space<hbm>>) target(%arg9 : memref<16x1024xf32, #tpu.memory_space<vmem>>) offsets(%dma_start3A_78 : memref<16xi32, #tpu.memory_space<vmem>>) semaphore(%arg13 : memref<!tpu.dma_semaphore, #tpu.memory_space<semaphore_mem>>)
      %dma_wait3A_82 = arith.constant 0 : i32
      %dma_wait3A_83 = tpu.memref_slice %arg5[%dma_wait3A_82] : memref<1600xi32, #tpu.memory_space<vmem>> -> memref<16xi32, #tpu.memory_space<vmem>>
      %dma_wait3A_84 = arith.constant 0 : i32
      %dma_wait3A_85 = arith.constant 0 : i32
      %dma_wait3A_86 = tpu.memref_slice %arg2[%dma_wait3A_84, %dma_wait3A_85] : memref<1000x1024xf32, #tpu.memory_space<hbm>> -> memref<1000x1024xf32, #tpu.memory_space<hbm>>
      tpu.wait_indirect_dma semaphore(%arg12 : memref<!tpu.dma_semaphore, #tpu.memory_space<semaphore_mem>>) src(%dma_wait3A_86 : memref<1000x1024xf32, #tpu.memory_space<hbm>>) dst(%arg8 : memref<16x1024xf32, #tpu.memory_space<vmem>>)
      %add3A_87 = arith.constant 2 : i32
      %add3A_88 = arith.addi %add3A_28, %add3A_87 : i32
      %mul3A_89 = arith.constant 16 : i32
      %mul3A_90 = arith.muli %add3A_88, %mul3A_89 : i32
      %multiple_of3A_91 = tpu.assume_multiple %mul3A_90, 8 : i32
      %add3A_92 = arith.addi %mul3A_2, %multiple_of3A_91 : i32
      %dma_start3A_93 = arith.constant 0 : i32
      %dma_start3A_94 = tpu.memref_slice %arg4[%add3A_92, %dma_start3A_93] : memref<51200x1024xf32, #tpu.memory_space<hbm>> -> memref<16x1024xf32, #tpu.memory_space<hbm>>
      %dma_start3A_95 = arith.constant 0 : i32
      %dma_start3A_96 = tpu.memref_slice %arg4[%add3A_92, %dma_start3A_95] : memref<51200x1024xf32, #tpu.memory_space<hbm>> -> memref<16x1024xf32, #tpu.memory_space<hbm>>
      tpu.enqueue_dma source(%arg8 : memref<16x1024xf32, #tpu.memory_space<vmem>>) target(%dma_start3A_96 : memref<16x1024xf32, #tpu.memory_space<hbm>>) target_semaphore(%arg16 : memref<!tpu.dma_semaphore, #tpu.memory_space<semaphore_mem>>)
      %dma_wait3A_97 = arith.constant 0 : i32
      %dma_wait3A_98 = tpu.memref_slice %arg4[%mul3A_2, %dma_wait3A_97] : memref<51200x1024xf32, #tpu.memory_space<hbm>> -> memref<16x1024xf32, #tpu.memory_space<hbm>>
      %dma_wait3A_99 = arith.constant 0 : i32
      %dma_wait3A_100 = tpu.memref_slice %arg4[%mul3A_2, %dma_wait3A_99] : memref<51200x1024xf32, #tpu.memory_space<hbm>> -> memref<16x1024xf32, #tpu.memory_space<hbm>>
      tpu.wait_dma2 semaphore(%arg14 : memref<!tpu.dma_semaphore, #tpu.memory_space<semaphore_mem>>) src(%arg6 : memref<16x1024xf32, #tpu.memory_space<vmem>>) dst(%dma_wait3A_100 : memref<16x1024xf32, #tpu.memory_space<hbm>>)
      %add3A_101 = arith.constant 4 : i32
      %add3A_102 = arith.addi %add3A_28, %add3A_101 : i32
      %lt3A = arith.constant 100 : i32
      %lt3A_103 = arith.cmpi slt, %add3A_102, %lt3A : i32
      %convert_element_type3A_104 = arith.extui %lt3A_103 : i1 to i32
      %cond3A_105 = arith.constant 0 : i32
      %cond3A_106 = arith.cmpi ne, %convert_element_type3A_104, %cond3A_105 : i32
      scf.if %cond3A_106 {
        %add3A_133 = arith.constant 4 : i32
        %add3A_134 = arith.addi %add3A_28, %add3A_133 : i32
        %mul3A_135 = arith.constant 16 : i32
        %mul3A_136 = arith.muli %add3A_134, %mul3A_135 : i32
        %multiple_of3A_137 = tpu.assume_multiple %mul3A_136, 8 : i32
        %dma_start3A_138 = tpu.memref_slice %arg5[%multiple_of3A_137] : memref<1600xi32, #tpu.memory_space<vmem>> -> memref<16xi32, #tpu.memory_space<vmem>>
        %dma_start3A_139 = arith.constant 0 : i32
        %dma_start3A_140 = arith.constant 0 : i32
        %dma_start3A_141 = tpu.memref_slice %arg2[%dma_start3A_139, %dma_start3A_140] : memref<1000x1024xf32, #tpu.memory_space<hbm>> -> memref<1000x1024xf32, #tpu.memory_space<hbm>>
        tpu.enqueue_indirect_dma source(%dma_start3A_141 : memref<1000x1024xf32, #tpu.memory_space<hbm>>) target(%arg6 : memref<16x1024xf32, #tpu.memory_space<vmem>>) offsets(%dma_start3A_138 : memref<16xi32, #tpu.memory_space<vmem>>) semaphore(%arg10 : memref<!tpu.dma_semaphore, #tpu.memory_space<semaphore_mem>>)
      } else {
      }
      %dma_wait3A_107 = arith.constant 0 : i32
      %dma_wait3A_108 = tpu.memref_slice %arg5[%dma_wait3A_107] : memref<1600xi32, #tpu.memory_space<vmem>> -> memref<16xi32, #tpu.memory_space<vmem>>
      %dma_wait3A_109 = arith.constant 0 : i32
      %dma_wait3A_110 = arith.constant 0 : i32
      %dma_wait3A_111 = tpu.memref_slice %arg2[%dma_wait3A_109, %dma_wait3A_110] : memref<1000x1024xf32, #tpu.memory_space<hbm>> -> memref<1000x1024xf32, #tpu.memory_space<hbm>>
      tpu.wait_indirect_dma semaphore(%arg13 : memref<!tpu.dma_semaphore, #tpu.memory_space<semaphore_mem>>) src(%dma_wait3A_111 : memref<1000x1024xf32, #tpu.memory_space<hbm>>) dst(%arg9 : memref<16x1024xf32, #tpu.memory_space<vmem>>)
      %add3A_112 = arith.constant 3 : i32
      %add3A_113 = arith.addi %add3A_28, %add3A_112 : i32
      %mul3A_114 = arith.constant 16 : i32
      %mul3A_115 = arith.muli %add3A_113, %mul3A_114 : i32
      %multiple_of3A_116 = tpu.assume_multiple %mul3A_115, 8 : i32
      %add3A_117 = arith.addi %mul3A_2, %multiple_of3A_116 : i32
      %dma_start3A_118 = arith.constant 0 : i32
      %dma_start3A_119 = tpu.memref_slice %arg4[%add3A_117, %dma_start3A_118] : memref<51200x1024xf32, #tpu.memory_space<hbm>> -> memref<16x1024xf32, #tpu.memory_space<hbm>>
      %dma_start3A_120 = arith.constant 0 : i32
      %dma_start3A_121 = tpu.memref_slice %arg4[%add3A_117, %dma_start3A_120] : memref<51200x1024xf32, #tpu.memory_space<hbm>> -> memref<16x1024xf32, #tpu.memory_space<hbm>>
      tpu.enqueue_dma source(%arg9 : memref<16x1024xf32, #tpu.memory_space<vmem>>) target(%dma_start3A_121 : memref<16x1024xf32, #tpu.memory_space<hbm>>) target_semaphore(%arg17 : memref<!tpu.dma_semaphore, #tpu.memory_space<semaphore_mem>>)
      %dma_wait3A_122 = arith.constant 0 : i32
      %dma_wait3A_123 = tpu.memref_slice %arg4[%mul3A_2, %dma_wait3A_122] : memref<51200x1024xf32, #tpu.memory_space<hbm>> -> memref<16x1024xf32, #tpu.memory_space<hbm>>
      %dma_wait3A_124 = arith.constant 0 : i32
      %dma_wait3A_125 = tpu.memref_slice %arg4[%mul3A_2, %dma_wait3A_124] : memref<51200x1024xf32, #tpu.memory_space<hbm>> -> memref<16x1024xf32, #tpu.memory_space<hbm>>
      tpu.wait_dma2 semaphore(%arg15 : memref<!tpu.dma_semaphore, #tpu.memory_space<semaphore_mem>>) src(%arg7 : memref<16x1024xf32, #tpu.memory_space<vmem>>) dst(%dma_wait3A_125 : memref<16x1024xf32, #tpu.memory_space<hbm>>)
      %add3A_126 = arith.constant 4 : i32
      %add3A_127 = arith.addi %add3A_28, %add3A_126 : i32
      %lt3A_128 = arith.constant 100 : i32
      %lt3A_129 = arith.cmpi slt, %add3A_127, %lt3A_128 : i32
      %convert_element_type3A_130 = arith.extui %lt3A_129 : i1 to i32
      %cond3A_131 = arith.constant 0 : i32
      %cond3A_132 = arith.cmpi ne, %convert_element_type3A_130, %cond3A_131 : i32
      scf.if %cond3A_132 {
        %add3A_133 = arith.constant 5 : i32
        %add3A_134 = arith.addi %add3A_28, %add3A_133 : i32
        %mul3A_135 = arith.constant 16 : i32
        %mul3A_136 = arith.muli %add3A_134, %mul3A_135 : i32
        %multiple_of3A_137 = tpu.assume_multiple %mul3A_136, 8 : i32
        %dma_start3A_138 = tpu.memref_slice %arg5[%multiple_of3A_137] : memref<1600xi32, #tpu.memory_space<vmem>> -> memref<16xi32, #tpu.memory_space<vmem>>
        %dma_start3A_139 = arith.constant 0 : i32
        %dma_start3A_140 = arith.constant 0 : i32
        %dma_start3A_141 = tpu.memref_slice %arg2[%dma_start3A_139, %dma_start3A_140] : memref<1000x1024xf32, #tpu.memory_space<hbm>> -> memref<1000x1024xf32, #tpu.memory_space<hbm>>
        tpu.enqueue_indirect_dma source(%dma_start3A_141 : memref<1000x1024xf32, #tpu.memory_space<hbm>>) target(%arg7 : memref<16x1024xf32, #tpu.memory_space<vmem>>) offsets(%dma_start3A_138 : memref<16xi32, #tpu.memory_space<vmem>>) semaphore(%arg11 : memref<!tpu.dma_semaphore, #tpu.memory_space<semaphore_mem>>)
      } else {
      }
    }
    %scan3A_16 = arith.constant 25 : i32
    %dma_wait3A = arith.constant 0 : i32
    %dma_wait3A_17 = tpu.memref_slice %arg4[%mul3A_2, %dma_wait3A] : memref<51200x1024xf32, #tpu.memory_space<hbm>> -> memref<16x1024xf32, #tpu.memory_space<hbm>>
    %dma_wait3A_18 = arith.constant 0 : i32
    %dma_wait3A_19 = tpu.memref_slice %arg4[%mul3A_2, %dma_wait3A_18] : memref<51200x1024xf32, #tpu.memory_space<hbm>> -> memref<16x1024xf32, #tpu.memory_space<hbm>>
    tpu.wait_dma2 semaphore(%arg16 : memref<!tpu.dma_semaphore, #tpu.memory_space<semaphore_mem>>) src(%arg8 : memref<16x1024xf32, #tpu.memory_space<vmem>>) dst(%dma_wait3A_19 : memref<16x1024xf32, #tpu.memory_space<hbm>>)
    %dma_wait3A_20 = arith.constant 0 : i32
    %dma_wait3A_21 = tpu.memref_slice %arg4[%mul3A_2, %dma_wait3A_20] : memref<51200x1024xf32, #tpu.memory_space<hbm>> -> memref<16x1024xf32, #tpu.memory_space<hbm>>
    %dma_wait3A_22 = arith.constant 0 : i32
    %dma_wait3A_23 = tpu.memref_slice %arg4[%mul3A_2, %dma_wait3A_22] : memref<51200x1024xf32, #tpu.memory_space<hbm>> -> memref<16x1024xf32, #tpu.memory_space<hbm>>
    tpu.wait_dma2 semaphore(%arg17 : memref<!tpu.dma_semaphore, #tpu.memory_space<semaphore_mem>>) src(%arg9 : memref<16x1024xf32, #tpu.memory_space<vmem>>) dst(%dma_wait3A_23 : memref<16x1024xf32, #tpu.memory_space<hbm>>)
    return
  }
}

module attributes {stable_mosaic.version = 14 : i64} {
  func.func @body(%arg0: i32, %arg1: memref<1000x1000xf32, #tpu.memory_space<vmem>>, %arg2: memref<1x1024x1xi32, #tpu.memory_space<vmem>>, %arg3: memref<1x1xf32, #tpu.memory_space<vmem>>, %arg4: memref<1x1024xf32, #tpu.memory_space<vmem>>) attributes {dimension_semantics = [#tpu.dimension_semantics<arbitrary>], iteration_bounds = array<i64: 50>, scalar_prefetch = 0 : i64, scratch_operands = 1 : i64, tpu.core_type = #tpu.core_type<tc>, window_params = [{pipeline_mode = #tpu.pipeline_mode<synchronous>, transform_indices = @transform_0, window_bounds = array<i64: 1000, 1000>}, {transform_indices = @transform_1, window_bounds = array<i64: 1, 1024, 1>}, {pipeline_mode = #tpu.pipeline_mode<synchronous>, transform_indices = @transform_2, window_bounds = array<i64: 1, 1>}]} {
    %eq3A = arith.constant 0 : i32
    %eq3A_0 = arith.cmpi eq, %arg0, %eq3A : i32
    %convert_element_type3A = arith.extui %eq3A_0 : i1 to i32
    %cond3A = arith.constant 0 : i32
    %cond3A_1 = arith.cmpi ne, %convert_element_type3A, %cond3A : i32
    scf.if %cond3A_1 {
      %get3A_29 = arith.constant 0 : index
      %get3A_30 = arith.constant 0 : index
      %get3A_31 = vector.load %arg1[%get3A_29, %get3A_30] : memref<1000x1000xf32, #tpu.memory_space<vmem>>, vector<1000x1000xf32>
      %reduce_max3A = arith.constant dense<0xFF800000> : vector<1000xf32>
      %reduce_max3A_32 = vector.multi_reduction <maximumf>, %get3A_31, %reduce_max3A [1] : vector<1000x1000xf32> to vector<1000xf32>
      %broadcast_in_dim3A_33 = vector.shape_cast %reduce_max3A_32 : vector<1000xf32> to vector<1000x1xf32>
      %sub3A = vector.broadcast %broadcast_in_dim3A_33 : vector<1000x1xf32> to vector<1000x1000xf32>
      %sub3A_34 = arith.subf %get3A_31, %sub3A : vector<1000x1000xf32>
      %exp3A = math.exp %sub3A_34 : vector<1000x1000xf32>
      %reduce_sum3A_35 = arith.constant dense<0.000000e+00> : vector<1000xf32>
      %reduce_sum3A_36 = vector.multi_reduction <add>, %exp3A, %reduce_sum3A_35 [1] : vector<1000x1000xf32> to vector<1000xf32>
      %broadcast_in_dim3A_37 = vector.shape_cast %reduce_sum3A_36 : vector<1000xf32> to vector<1000x1xf32>
      %log3A = math.log %broadcast_in_dim3A_37 : vector<1000x1xf32>
      %add3A_38 = arith.addf %broadcast_in_dim3A_33, %log3A : vector<1000x1xf32>
      %iota3A_39 = tpu.iota {dimensions = array<i32: 0>} : vector<1000x1000xi32>
      %iota3A_40 = tpu.iota {dimensions = array<i32: 1>} : vector<1000x1000xi32>
      %eq3A_41 = arith.cmpi eq, %iota3A_39, %iota3A_40 : vector<1000x1000xi32>
      %jit3A_42 = arith.constant 0.000000e+00 : f32
      %broadcast_in_dim3A_43 = vector.broadcast %jit3A_42 : f32 to vector<1000x1000xf32>
      %select_n3A_44 = arith.select %eq3A_41, %get3A_31, %broadcast_in_dim3A_43 : vector<1000x1000xi1>, vector<1000x1000xf32>
      %reduce_sum3A_45 = arith.constant dense<0.000000e+00> : vector<1000xf32>
      %reduce_sum3A_46 = vector.multi_reduction <add>, %select_n3A_44, %reduce_sum3A_45 [1] : vector<1000x1000xf32> to vector<1000xf32>
      %broadcast_in_dim3A_47 = vector.shape_cast %reduce_sum3A_46 : vector<1000xf32> to vector<1000x1xf32>
      %sub3A_48 = arith.subf %add3A_38, %broadcast_in_dim3A_47 : vector<1000x1xf32>
      %reshape3A = vector.shape_cast %sub3A_48 : vector<1000x1xf32> to vector<1x1000xf32>
      %swap3A_49 = arith.constant 0 : index
      %swap3A_50 = arith.constant 0 : index
      %swap3A_51 = vector.load %arg4[%swap3A_49, %swap3A_50] : memref<1x1024xf32, #tpu.memory_space<vmem>>, vector<1x1000xf32>
      tpu.vector_store %arg4[%swap3A_49, %swap3A_50], %reshape3A {strides = array<i32>} : memref<1x1024xf32, #tpu.memory_space<vmem>>, vector<1x1000xf32>,
      %broadcast_in_dim3A_52 = arith.constant 0.000000e+00 : f32
      %broadcast_in_dim3A_53 = vector.broadcast %broadcast_in_dim3A_52 : f32 to vector<1x24xf32>
      %swap3A_54 = arith.constant 0 : index
      %swap3A_55 = arith.constant 1000 : index
      %swap3A_56 = vector.load %arg4[%swap3A_54, %swap3A_55] : memref<1x1024xf32, #tpu.memory_space<vmem>>, vector<1x24xf32>
      tpu.vector_store %arg4[%swap3A_54, %swap3A_55], %broadcast_in_dim3A_53 {strides = array<i32>} : memref<1x1024xf32, #tpu.memory_space<vmem>>, vector<1x24xf32>,
      %broadcast_in_dim3A_57 = arith.constant 0.000000e+00 : f32
      %broadcast_in_dim3A_58 = vector.broadcast %broadcast_in_dim3A_57 : f32 to vector<1x1xf32>
      %swap3A_59 = arith.constant 0 : index
      %swap3A_60 = arith.constant 0 : index
      %swap3A_61 = vector.load %arg3[%swap3A_59, %swap3A_60] : memref<1x1xf32, #tpu.memory_space<vmem>>, vector<1x1xf32>
      tpu.vector_store %arg3[%swap3A_59, %swap3A_60], %broadcast_in_dim3A_58 {strides = array<i32>} : memref<1x1xf32, #tpu.memory_space<vmem>>, vector<1x1xf32>,
    } else {
    }
    %get3A = arith.constant 0 : index
    %get3A_2 = arith.constant 0 : index
    %get3A_3 = arith.constant 0 : index
    %get3A_4 = vector.load %arg2[%get3A, %get3A_2, %get3A_3] : memref<1x1024x1xi32, #tpu.memory_space<vmem>>, vector<1x1024x1xi32>
    %get3A_5 = vector.shape_cast %get3A_4 : vector<1x1024x1xi32> to vector<1024x1xi32>
    %iota3A = tpu.iota {dimensions = array<i32: 1>} : vector<1x1024xi32>
    %eq3A_6 = vector.broadcast %get3A_5 : vector<1024x1xi32> to vector<1024x1024xi32>
    %eq3A_7 = vector.broadcast %iota3A : vector<1x1024xi32> to vector<1024x1024xi32>
    %eq3A_8 = arith.cmpi eq, %eq3A_6, %eq3A_7 : vector<1024x1024xi32>
    %get3A_9 = arith.constant 0 : index
    %get3A_10 = arith.constant 0 : index
    %get3A_11 = vector.load %arg4[%get3A_9, %get3A_10] : memref<1x1024xf32, #tpu.memory_space<vmem>>, vector<1x1024xf32>
    %jit3A = arith.constant 0.000000e+00 : f32
    %broadcast_in_dim3A = vector.shape_cast %get3A_11 : vector<1x1024xf32> to vector<1x1024xf32>
    %broadcast_in_dim3A_12 = vector.broadcast %broadcast_in_dim3A : vector<1x1024xf32> to vector<1024x1024xf32>
    %broadcast_in_dim3A_13 = vector.broadcast %jit3A : f32 to vector<1024x1024xf32>
    %select_n3A = arith.select %eq3A_8, %broadcast_in_dim3A_12, %broadcast_in_dim3A_13 : vector<1024x1024xi1>, vector<1024x1024xf32>
    %reduce_sum3A = vector.shape_cast %select_n3A : vector<1024x1024xf32> to vector<1x1024x1024xf32>
    %reduce_sum3A_14 = arith.constant dense<0.000000e+00> : vector<1xf32>
    %reduce_sum3A_15 = vector.multi_reduction <add>, %reduce_sum3A, %reduce_sum3A_14 [1, 2] : vector<1x1024x1024xf32> to vector<1xf32>
    %reduce_sum3A_16 = vector.shape_cast %reduce_sum3A_15 : vector<1xf32> to vector<1x1x1xf32>
    %reduce_sum3A_17 = vector.extract %reduce_sum3A_16[0, 0, 0] : f32 from vector<1x1x1xf32>
    %get3A_18 = arith.constant 0 : index
    %get3A_19 = arith.constant 0 : index
    %get3A_20 = vector.load %arg3[%get3A_18, %get3A_19] : memref<1x1xf32, #tpu.memory_space<vmem>>, vector<1x1xf32>
    %add3A = vector.broadcast %reduce_sum3A_17 : f32 to vector<1x1xf32>
    %add3A_21 = arith.addf %get3A_20, %add3A : vector<1x1xf32>
    %swap3A = arith.constant 0 : index
    %swap3A_22 = arith.constant 0 : index
    %swap3A_23 = vector.load %arg3[%swap3A, %swap3A_22] : memref<1x1xf32, #tpu.memory_space<vmem>>, vector<1x1xf32>
    tpu.vector_store %arg3[%swap3A, %swap3A_22], %add3A_21 {strides = array<i32>} : memref<1x1xf32, #tpu.memory_space<vmem>>, vector<1x1xf32>,
    %eq3A_24 = arith.constant 49 : i32
    %eq3A_25 = arith.cmpi eq, %arg0, %eq3A_24 : i32
    %convert_element_type3A_26 = arith.extui %eq3A_25 : i1 to i32
    %cond3A_27 = arith.constant 0 : i32
    %cond3A_28 = arith.cmpi ne, %convert_element_type3A_26, %cond3A_27 : i32
    scf.if %cond3A_28 {
      %get3A_29 = arith.constant 0 : index
      %get3A_30 = arith.constant 0 : index
      %get3A_31 = vector.load %arg3[%get3A_29, %get3A_30] : memref<1x1xf32, #tpu.memory_space<vmem>>, vector<1x1xf32>
      %div3A = arith.constant 5.120000e+04 : f32
      %div3A_32 = vector.broadcast %div3A : f32 to vector<1x1xf32>
      %div3A_33 = arith.divf %get3A_31, %div3A_32 : vector<1x1xf32>
      %swap3A_34 = arith.constant 0 : index
      %swap3A_35 = arith.constant 0 : index
      %swap3A_36 = vector.load %arg3[%swap3A_34, %swap3A_35] : memref<1x1xf32, #tpu.memory_space<vmem>>, vector<1x1xf32>
      tpu.vector_store %arg3[%swap3A_34, %swap3A_35], %div3A_33 {strides = array<i32>} : memref<1x1xf32, #tpu.memory_space<vmem>>, vector<1x1xf32>,
    } else {
    }
    return
  }
  func.func @transform_0(%arg0: i32) -> (i32, i32) {
    %c0_i32 = arith.constant 0 : i32
    %c0_i32_0 = arith.constant 0 : i32
    %c0_i32_1 = arith.constant 0 : i32
    return %c0_i32, %c0_i32_0 : i32, i32
  }
  func.func @transform_1(%arg0: i32) -> (i32, i32, i32) {
    %c0_i32 = arith.constant 0 : i32
    %c0_i32_0 = arith.constant 0 : i32
    %c0_i32_1 = arith.constant 0 : i32
    return %arg0, %c0_i32, %c0_i32_0 : i32, i32, i32
  }
  func.func @transform_2(%arg0: i32) -> (i32, i32) {
    %c0_i32 = arith.constant 0 : i32
    %c0_i32_0 = arith.constant 0 : i32
    %c0_i32_1 = arith.constant 0 : i32
    return %c0_i32, %c0_i32_0 : i32, i32
  }
}

</mosaic_0001>

<sc_bundles>
// kernel: kernel.4.cloned.1.call-start
scs
__scs_entry_jumppad:
0x0: {  	(pc) =	sbr.rel $0x88, $3  }
0x1: {  	(tag) =	ssettag $0x0;
	lr =	simm.s32 $0x1  }
0x2: {  	[smem:$0x3F9F] =	sst lr;
	_ =	strace $0xD0000000  }
0x3: {  	_ = 	snop  }
0x4: {  	_ = 	snop  }
0x5: {  	_ = 	snop  }
0x6: {  	_ = 	snop  }
0x7: {  	_ = 	snop  }
__scs_overlays_trampoline_lowered:
0x8: {  	[smem:$0x3FAE] =	sst s0  }
0x9: {  	[smem:$0x3FAF] =	sst s1  }
0xa: {  	[smem:$0x3FB0] =	sst s2  }
0xb: {  	[smem:$0x3FB1] =	sst s3  }
0xc: {  	[smem:$0x3FB2] =	sst s4  }
0xd: {  	[smem:$0x3FB3] =	sst s5  }
0xe: {  	[smem:$0x3FB4] =	sst s6  }
0xf: {  	[smem:$0x3FB5] =	sst s7  }
0x10: {  	[smem:$0x3FB6] =	sst s8  }
0x11: {  	[smem:$0x3FB7] =	sst s9;
	s0 =	simm.s32 @!p0 $0x0  }
0x12: {  	s1 =	sld [smem:$0x3F9D];
	s0 =	simm.s32 @p0 $0x1  }
0x13: {  	[smem:$0x3FB8] =	sst s0;
	s0 =	simm.s32 @!p1 $0x0  }
0x14: {  	s2 =	sld [smem:$0x3F9C];
	s0 =	simm.s32 @p1 $0x1  }
0x15: {  	[smem:$0x3FB9] =	sst s0;
	s0 =	simm.s32 @!p2 $0x0  }
0x16: {  	s3 =	sld [smem:$0x3FDB];
	s0 =	simm.s32 @p2 $0x1  }
0x17: {  	s4 =	simm.s32 $0x1BF5;
	[smem:$0x3FBB] =	sst s0  }
0x18: {  	s0 =	sld [smem:$0x3F9E];
	_ =	swait.ge [sflag:s4], $0x0  }
0x19: {  	s7 =	sld [smem:$0x3F9F]  }
0x1a: {  	s8 =	sadd.s32 $0xFFFFE003, lr  }
0x1b: {  	s9 =	sadd.s32 $0xFFFFFEF7, lr;
	s5 =	simm.s32 $0xFFFFFFFF;
	p2 =	slt.u32 s8, $0xFFFFF086  }
0x1c: {  	p1 =	slt.u32 s9, $0xF7A;
	s5 =	simm.s32 @!p2 $0x0  }
0x1d: {  	s5 =	simm.s32 @p1 $0x1;
	p0 =	seq.s32 s7, s2  }
0x1e: {  	s7 =	smul.u32 @!p0 $0xF7A, s2;
	p2 =	seq.s32 @!p0 s5, $0x0  }
0x1f: {  	s9 =	smul.u32 $0xF7A, s1;
	s8 =	simm.s32 @!p0 $0x1BF5;
	p2 =	por !p2, p0  }
0x20: {  	[sflag:s8] =	ssyncset.s32 @!p0 $0xFFFFF086;
	s6 =	sadd.s32 @!p0 s3, s7;
	s7 =	simm.s32 @!p0 $0x108  }
0x21: {  	s3 =	sadd.s32 s3, s9;
	s6 =	sadd.s32 @!p0 $0x88, s6;
	s7 =	simm.s32 @p2 $0x1082  }
0x22: {  	[simem:s7], [sflag:s8] =	dma.local @!p0 [hbm:s6], $0xF7A  }
0x23: {  	s9 =	sor.u32 $0xD0000000, s2;
	s6 =	simm.s32 $0x108;
	_ =	swait.ge @!p0 [sflag:s8], $0x0  }
0x24: {  	s3 =	sadd.s32 $0x88, s3;
	s6 =	simm.s32 @!p1 $0x1082;
	[sflag:s4] =	ssyncset.s32 $0xFFFFF086  }
0x25: {  	[simem:s6], [sflag:s4] =	dma.local [hbm:s3], $0xF7A  }
0x26: {  	[smem:$0x3F9F] =	sst s1;
	(tag) =	ssettag s2;
	_ =	strace s9  }
0x27: {  	s1 =	sld [smem:$0x3FAF]  }
0x28: {  	s2 =	sld [smem:$0x3FB0]  }
0x29: {  	s4 =	sld [smem:$0x3FB2]  }
0x2a: {  	p0 =	seq.s32 s5, $0x0;
	s5 =	sld [smem:$0x3FB3]  }
0x2b: {  	s6 =	sld [smem:$0x3FB4]  }
0x2c: {  	s7 =	sld [smem:$0x3FB5]  }
0x2d: {  	s3 =	simm.s32 $0x108;
	s8 =	sld [smem:$0x3FB6]  }
0x2e: {  	s3 =	simm.s32 @!p0 $0x1082;
	s9 =	sld [smem:$0x3FB7]  }
0x2f: {  	lr =	sadd.s32 s0, s3;
	s0 =	sld [smem:$0x3FAE]  }
0x30: {  	s3 =	sld [smem:$0x3FB1]  }
0x31: {  	[smem:$0x3FBA] =	sst s10  }
0x32: {  	s10 =	sld [smem:$0x3FB8];
	_ =	sdelay $0x3  }
0x33: {  	p0 =	seq.s32 s10, $0x1;
	s10 =	sld [smem:$0x3FBA];
	_ =	sdelay $0x3  }
0x34: {  	[smem:$0x3FBA] =	sst s10  }
0x35: {  	s10 =	sld [smem:$0x3FB9];
	_ =	sdelay $0x3  }
0x36: {  	p1 =	seq.s32 s10, $0x1;
	s10 =	sld [smem:$0x3FBA];
	_ =	sdelay $0x3  }
0x37: {  	[smem:$0x3FBA] =	sst s10  }
0x38: {  	s10 =	sld [smem:$0x3FBB]  }
0x39: {  	_ = 	snop;
	(pc) =	sbr.ind lr, $3  }
0x3a: {  	_ = 	snop  }
0x3b: {  	_ = 	snop  }
0x3c: {  	p2 =	seq.s32 s10, $0x1;
	s10 =	sld [smem:$0x3FBA]  }
0x3d: {  	_ =	shalt  }
0x3e: {  	_ =	shalt  }
0x3f: {  	_ =	shalt  }
0x40: {  	_ =	shalt  }
0x41: {  	_ =	shalt  }
0x42: {  	_ =	shalt  }
0x43: {  	_ =	shalt  }
0x44: {  	_ =	shalt  }
0x45: {  	_ =	shalt  }
0x46: {  	_ =	shalt  }
0x47: {  	_ =	shalt  }
0x48: {  	_ =	shalt  }
0x49: {  	_ =	shalt  }
0x4a: {  	_ =	shalt  }
0x4b: {  	_ =	shalt  }
0x4c: {  	_ =	shalt  }
0x4d: {  	_ =	shalt  }
0x4e: {  	_ =	shalt  }
0x4f: {  	_ =	shalt  }
0x50: {  	_ =	shalt  }
0x51: {  	_ =	shalt  }
0x52: {  	_ =	shalt  }
0x53: {  	_ =	shalt  }
0x54: {  	_ =	shalt  }
0x55: {  	_ =	shalt  }
0x56: {  	_ =	shalt  }
0x57: {  	_ =	shalt  }
0x58: {  	_ =	shalt  }
0x59: {  	_ =	shalt  }
0x5a: {  	_ =	shalt  }
0x5b: {  	_ =	shalt  }
0x5c: {  	_ =	shalt  }
0x5d: {  	_ =	shalt  }
0x5e: {  	_ =	shalt  }
0x5f: {  	_ =	shalt  }
0x60: {  	_ =	shalt  }
0x61: {  	_ =	shalt  }
0x62: {  	_ =	shalt  }
0x63: {  	_ =	shalt  }
0x64: {  	_ =	shalt  }
0x65: {  	_ =	shalt  }
0x66: {  	_ =	shalt  }
0x67: {  	_ =	shalt  }
0x68: {  	_ =	shalt  }
0x69: {  	_ =	shalt  }
0x6a: {  	_ =	shalt  }
0x6b: {  	_ =	shalt  }
0x6c: {  	_ =	shalt  }
0x6d: {  	_ =	shalt  }
0x6e: {  	_ =	shalt  }
0x6f: {  	_ =	shalt  }
0x70: {  	_ =	shalt  }
0x71: {  	_ =	shalt  }
0x72: {  	_ =	shalt  }
0x73: {  	_ =	shalt  }
0x74: {  	_ =	shalt  }
0x75: {  	_ =	shalt  }
0x76: {  	_ =	shalt  }
0x77: {  	_ =	shalt  }
0x78: {  	_ =	shalt  }
0x79: {  	_ =	shalt  }
0x7a: {  	_ =	shalt  }
0x7b: {  	_ =	shalt  }
0x7c: {  	_ =	shalt  }
0x7d: {  	_ =	shalt  }
0x7e: {  	_ =	shalt  }
0x7f: {  	_ =	shalt  }
0x80: {  	_ =	shalt  }
0x81: {  	_ =	shalt  }
0x82: {  	_ =	shalt  }
0x83: {  	_ =	shalt  }
0x84: {  	_ =	shalt  }
0x85: {  	_ =	shalt  }
0x86: {  	_ =	shalt  }
0x87: {  	_ =	shalt  }
.Lfunc_end0:
.L_simem_size_0:
called_computation.1_lowered:
.L_overlay_start_0:
0x88: {  	s2 =	sld [smem:$0x3FD9]  }
0x89: {  	s3 =	sld [smem:$0x3FFE];
	_ =	sdelay $0x1  }
0x8a: {  	s1 =	srdreg.scid  }
0x8b: {  	s0 =	sand.u32 $0x1, s1  }
0x8c: {  	s14 =	sshll.u32 s0, $0xA;
	s2 =	sadd.s32 s3, s2  }
0x8d: {  	s2 =	sadd.s32 s2, s14  }
0x8e: {  	[smem:$0x3FC6] =	sst s2  }
0x8f: {  	_ = 	snop  }
0x90: {  	s2 =	sld [smem:$0x3FD0];
	_ =	sdelay $0x2  }
0x91: {  	s15 =	simm.s32 $0xA;
	s4 =	simm.s32 $0x10  }
0x92: {  	[smem:s4], [sflag:s15] =	dma.local [hbm:s2], $0x1  }
0x93: {  	_ =	swait.eq [sflag:s15], $0x1  }
0x94: {  	[sflag:s15] =	ssyncset.done $0x0  }
0x95: {  	[sflag:s15] =	ssyncadd.s32 $0xFFFFFFFF  }
0x96: {  	s16 =	sld [smem:$0x10];
	(tm) =	ssettm $0x1  }
0x97: {  	s17 =	sld [smem:$0x3FFB];
	_ =	sdelay $0x3  }
0x98: {  	_ =	strace s17  }
0x99: {  	s3 =	sld [smem:$0x3FFC];
	_ =	sdelay $0x3  }
0x9a: {  	_ =	strace s3  }
0x9b: {  	s3 =	sld [smem:$0x3FFD];
	_ =	sdelay $0x3  }
0x9c: {  	_ =	strace s3  }
0x9d: {  	_ =	strace $0x8FFFFFFF  }
0x9e: {  	s18 =	sld [smem:$0x3FDB];
	_ =	sdelay $0x1  }
0x9f: {  	s19 =	simm.s32 $_scs_section_size  }
0xa0: {  	s5 =	simm.s32 $_size__tile_overlayer_lowered;
	s6 =	simm.s32 $_tile_overlayer_lowered  }
0xa1: {  	s22 =	simm.s32 $0x1BFF;
	s21 =	sshll.u32 s6, $0x1;
	s3 =	sadd.s32 s19, s18  }
0xa2: {  	s7 =	simm.s32 $0x0;
	s20 =	sshll.u32 s5, $0x1;
	s5 =	sadd.s32 s21, s3  }
0xa3: {  	[timem:s7], [sflag:s22] =	dma.local [hbm:s5], s20  }
0xa4: {  	_ =	swait.ge [sflag:s22], s20  }
0xa5: {  	s4 =	ssub.s32 $0x0, s20;
	[sflag:s22] =	ssyncset.done $0x0  }
0xa6: {  	[sflag:s22] =	ssyncadd.s32 s4;
	_ =	sdelay $0x1  }
0xa7: {  	s23 =	simm.s32 $0x1B8B  }
0xa8: {  	_ =	swait.ge [sflag:s23], $0x1  }
0xa9: {  	[sflag:s23] =	ssyncset.done $0x0  }
0xaa: {  	s25 =	simm.s32 $0x1B8E;
	s24 =	sld [smem:$0x3FFE];
	[sflag:s23] =	ssyncadd.s32 $0xFFFFFFFF  }
0xab: {  	s26 =	simm.s32 $execute0_lowered;
	[smem:$0x3FD2] =	sst s25  }
0xac: {  	s5 =	sshll.u32 s26, $0x1;
	_ =	strace $0x80000046;
	[dreg:$0x1] =	wrdreg $0xFFFFFFFF  }
0xad: {  	s28 =	simm.s32 $_size_execute0_lowered;
	s3 =	sadd.s32 s3, s5;
	[dreg:$0x0] =	wrdreg $0x0  }
0xae: {  	s5 =	sshll.u32 s28, $0x1;
	[dreg:$0x2] =	wrdreg s3  }
0xaf: {  	[dreg:$0x3] =	wrdreg s5  }
0xb0: {  	[dreg:$0x4] =	wrdreg $0xC0  }
0xb1: {  	_ =	task [dreg:s7], $0x5FFFF  }
0xb2: {  	[dreg:$0x1] =	wrdreg $0xFFFFFFFF  }
0xb3: {  	[dreg:$0x0] =	wrdreg $0x60  }
0xb4: {  	[dreg:$0x2] =	wrdreg s16  }
0xb5: {  	[dreg:$0x3] =	wrdreg s24  }
0xb6: {  	[dreg:$0x4] =	wrdreg $0x9  }
0xb7: {  	_ =	task.clear_ibuf [dreg:s7], $0x5FFFF;
	_ =	strace $0x90000046  }
0xb8: {  	s29 =	simm.s32 $0x9;
	_ =	strace $0x80000048  }
0xb9: {  	_ =	swait.ge [sflag:s29], $0x1  }
0xba: {  	[sflag:s29] =	ssyncadd.s32 $0xFFFFFFFF  }
0xbb: {  	_ =	strace $0x90000048  }
0xbc: {  	_ =	sfence  }
0xbd: {  	s30 =	sld [smem:$0x0];
	_ =	sdelay $0x2  }
0xbe: {  	s31 =	sshll.u32 s1, $0xD;
	s1 =	sshrl.u32 s1, $0x2  }
0xbf: {  	s3 =	sand.u32 $0x4000, s31;
	s1 =	sadd.s32 s1, s30  }
0xc0: {  	s0 =	sor.u32 s3, s0;
	s1 =	sshll.u32 s1, $0x11  }
0xc1: {  	s0 =	sor.u32 s1, s0  }
0xc2: {  	s0 =	sadd.s32 $0x8F2B, s0  }
0xc3: {  	[sflag:s0] =	ssyncadd.remote.s32 $0x1  }
0xc4: {  	_ =	sfence.sel $0xFFFF  }
0xc5: {  	[dreg:$0x0] =	wrdreg $0xFFFFFFFF;
	(pc) =	sbr.abs _section_cstart, $3  }
0xc6: {  	[dreg:$0x1] =	wrdreg $0xFFFFFFFF  }
0xc7: {  	_ =	task.clear_ibuf [dreg:s7], $0x2FFFF;
	_ =	strace $0x9FFFFFFF  }
0xc8: {  	(tm) =	ssettm $0x7FFFFFFF  }
0xc9: {  	_ =	shalt  }
tec
execute0_lowered:
.L_overlay_start_1:
0x0: {  	(tag) =	ssettag $0x1  }
0x1: {  	s0 =	srdreg.scid  }
0x2: {  	s10 =	stileid.u32;
	s2 =	rddreg [dreg:$0x0]  }
0x3: {  	s4 =	rddreg [dreg:$0x1];
	s3 =	simm.s32 $0x0;
	s20 =	simm.s32 $0x4680  }
0x4: {  	s29 =	simm.s32 $0x1;
	s30 =	simm.s32 $0x8680;
	s14 =	simm.s32 $0xAE80  }
0x5: {  	s15 =	simm.s32 $0xB680;
	s16 =	simm.s32 $0xBE80;
	s17 =	simm.s32 $0x2  }
0x6: {  	s18 =	simm.s32 $0xC680;
	s19 =	simm.s32 $0xCE80;
	s11 =	simm.s32 $0xE680  }
0x7: {  	s12 =	simm.s32 $0xEE80;
	s21 =	simm.s32 $0xF680;
	s22 =	simm.s32 $0xFE80  }
0x8: {  	s23 =	simm.s32 $0x3;
	s24 =	simm.s32 $0x5;
	s25 =	simm.s32 $0x4  }
0x9: {  	s26 =	simm.s32 $0x6;
	s13 =	simm.s32 $0x0;
	s7 =	smul.u32 $0x320000, s10  }
0xa: {  	s0 =	sand.u32 $0x1, s0;
	s1 =	sshll.u32 s10, $0x1;
	s31 =	smul.u32 $0x64000, s10  }
0xb: {  	[smem:$0x7FF] =	sst s3;
	s5 =	ssub.s32 $0x2, s0;
	s9 =	smul.u32 $0x190000, s0  }
0xc: {  	s1 =	sor.u32 s0, s1;
	s0 =	smul.u32 $0x32000, s0;
	s6 =	sshrl.u32 s5, $0x1  }
0xd: {  	_ =	strace $0x80000047;
	s1 =	smul.u32 $0x640, s1;
	s8 =	ssub.s32 s5, s6  }
0xe: {  	s5 =	sadd.s32 $0x100, s2;
	s6 =	sadd.s32 $0x200, s2;
	s9 =	sadd.s32 s9, s7  }
.Ltmp0:
0xf: {  	s7 =	sadd.s32 $0x300, s2;
	s1 =	sshrl.u32 s1, $0x3;
	(pc) =	sbr.rel .LBB2_1-.Ltmp0, $4  }
0x10: {  	s9 =	sshrl.u32 s9, $0x3;
	s8 =	smax.u32 s8, $0x1;
	s1 =	sadd.s32 s1, s4  }
0x11: {  	v2 =	vlaneseq.u32;
	s4 =	sadd.s32 $0x6800, s4;
	[dreg:$0x4] =	wrdreg s8;
	s1 =	sadd.s32 $0x4E00, s1  }
0x12: {  	vm0 =	vmmov $0xffff;
	v1 =	vshrl.u32 v2, $0x3;
	s8 =	simm.s32 $0xDE80;
	[dreg:$0x3] =	wrdreg s1;
	s1 =	sadd.s32 s31, s4  }
0x13: {  	v0 =	vand.u32 $0x7, v2;
	v2 =	vor.u32 $0x8, v2;
	v1 =	vmul.u32 $0x8, v1;
	s9 =	sadd.s32 s9, s4;
	s4 =	simm.s32 $0xD680;
	s10 =	sadd.s32 s0, s1  }
.LBB2_4:
0x14: {  	s0 =	simm.s32 $0x7  }
0x15: {  	_ =	swait.ge [sflag:s0], $0x4000  }
0x16: {  	[sflag:s0] =	ssyncset.done $0x0  }
0x17: {  	s1 =	simm.s32 $0x8;
	[sflag:s0] =	ssyncadd.s32 $0xFFFFC000  }
0x18: {  	_ =	swait.ge [sflag:s1], $0x4000  }
0x19: {  	s13 =	rddreg [dreg:$0x5]  }
0x1a: {  	s31 =	rddreg [dreg:$0x4];
	s13 =	sadd.s32 $0x1, s13  }
0x1b: {  	p0 =	sne.s32 s13, s31  }
.Ltmp1:
0x1c: {  	_ = 	snop;
	(pc) =	sbr.rel @!p0 .LBB2_5-.Ltmp1, $3  }
0x1d: {  	_ =	sdelay $0x1  }
0x1e: {  	[sflag:s1] =	ssyncset.done $0x0  }
0x1f: {  	[sflag:s1] =	ssyncadd.s32 $0xFFFFC000  }
.LBB2_1:
0x20: {  	[dreg:$0x5] =	wrdreg s13  }
0x21: {  	s0 =	rddreg [dreg:$0x3];
	s1 =	simm.s32 $0x9  }
0x22: {  	[tilespmem:s3], [sflag:$0x9] =	stream.linear.gather [hbm4b:s0+s3], $0x640, $0x38;
	[tilespmem:$0x10680] =	vst v63  }
0x23: {  	_ =	swait.ge [sflag:s1], $0x640  }
0x24: {  	[sflag:s1] =	ssyncset.done $0x0  }
0x25: {  	[sflag:s1] =	ssyncadd.s32 $0xFFFFF9C0  }
0x26: {  	v3 =	vld [tilespmem:$0x0];
	_ =	sdelay $0x4  }
0x27: {  	v4 =	vshll.u32 v3, $0x3  }
0x28: {  	v3 =	vand.u32 $0x7, v3;
	v4 =	vand.u32 $0xFFFFFFC0, v4  }
0x29: {  	v3 =	vor.u32 v3, v4  }
0x2a: {  	v4 =	vperm.xlane v3, v0;
	_ =	sdelay $0x1  }
0x2b: {  	v4 =	vadd.s32 v1, v4;
	_ =	sdelay $0x3  }
0x2c: {  	s13 =	simm.s32 $0x680  }
0x2d: {  	[tilespmem:s13], [sflag:$0x1] =	stream.indirect_vreg.gather [hbm4b:s2+s3], $0x80, v4, vm0, $0xb8;
	[tilespmem:$0x10680] =	vst v63  }
0x2e: {  	s1 =	simm.s32 $0xE80;
	v3 =	vperm.xlane v3, v2  }
0x2f: {  	[tilespmem:s1], [sflag:$0x1] =	stream.indirect_vreg.gather [hbm4b:s5+s3], $0x80, v4, vm0, $0xb8;
	[tilespmem:$0x10680] =	vst v63  }
0x30: {  	v3 =	vadd.s32 v1, v3;
	s13 =	simm.s32 $0x1680  }
0x31: {  	[tilespmem:s13], [sflag:$0x1] =	stream.indirect_vreg.gather [hbm4b:s6+s3], $0x80, v4, vm0, $0xb8;
	[tilespmem:$0x10680] =	vst v63  }
0x32: {  	s1 =	simm.s32 $0x1E80  }
0x33: {  	[tilespmem:s1], [sflag:$0x1] =	stream.indirect_vreg.gather [hbm4b:s7+s3], $0x80, v4, vm0, $0xb8;
	[tilespmem:$0x10680] =	vst v63  }
0x34: {  	s13 =	simm.s32 $0x2680  }
0x35: {  	[tilespmem:s13], [sflag:$0x1] =	stream.indirect_vreg.gather [hbm4b:s2+s3], $0x80, v3, vm0, $0xb8;
	[tilespmem:$0x10680] =	vst v63  }
0x36: {  	s1 =	simm.s32 $0x2E80  }
0x37: {  	[tilespmem:s1], [sflag:$0x1] =	stream.indirect_vreg.gather [hbm4b:s5+s3], $0x80, v3, vm0, $0xb8;
	[tilespmem:$0x10680] =	vst v63  }
0x38: {  	s13 =	simm.s32 $0x3680  }
0x39: {  	[tilespmem:s13], [sflag:$0x1] =	stream.indirect_vreg.gather [hbm4b:s6+s3], $0x80, v3, vm0, $0xb8;
	[tilespmem:$0x10680] =	vst v63  }
0x3a: {  	s1 =	simm.s32 $0x3E80  }
0x3b: {  	[tilespmem:s1], [sflag:$0x1] =	stream.indirect_vreg.gather [hbm4b:s7+s3], $0x80, v3, vm0, $0xb8;
	[tilespmem:$0x10680] =	vst v63  }
0x3c: {  	v3 =	vld [tilespmem:$0x10];
	_ =	sdelay $0x4  }
0x3d: {  	v63 =	vshll.u32 v3, $0x3  }
0x3e: {  	v3 =	vand.u32 $0x7, v3;
	v4 =	vand.u32 $0xFFFFFFC0, v63  }
0x3f: {  	v3 =	vor.u32 v3, v4  }
0x40: {  	v4 =	vperm.xlane v3, v0;
	_ =	sdelay $0x1  }
0x41: {  	v4 =	vadd.s32 v1, v4;
	_ =	sdelay $0x4  }
0x42: {  	[tilespmem:s20], [sflag:$0x2] =	stream.indirect_vreg.gather [hbm4b:s2+s3], $0x80, v4, vm0, $0xb8;
	[tilespmem:$0x10680] =	vst v63  }
0x43: {  	s13 =	simm.s32 $0x4E80;
	v3 =	vperm.xlane v3, v2  }
0x44: {  	[tilespmem:s13], [sflag:$0x2] =	stream.indirect_vreg.gather [hbm4b:s5+s3], $0x80, v4, vm0, $0xb8;
	[tilespmem:$0x10680] =	vst v63  }
0x45: {  	s1 =	simm.s32 $0x5680;
	v3 =	vadd.s32 v1, v3  }
0x46: {  	[tilespmem:s1], [sflag:$0x2] =	stream.indirect_vreg.gather [hbm4b:s6+s3], $0x80, v4, vm0, $0xb8;
	[tilespmem:$0x10680] =	vst v63  }
0x47: {  	s13 =	simm.s32 $0x5E80  }
0x48: {  	[tilespmem:s13], [sflag:$0x2] =	stream.indirect_vreg.gather [hbm4b:s7+s3], $0x80, v4, vm0, $0xb8;
	[tilespmem:$0x10680] =	vst v63  }
0x49: {  	s1 =	simm.s32 $0x6680  }
0x4a: {  	[tilespmem:s1], [sflag:$0x2] =	stream.indirect_vreg.gather [hbm4b:s2+s3], $0x80, v3, vm0, $0xb8;
	[tilespmem:$0x10680] =	vst v63  }
0x4b: {  	s13 =	simm.s32 $0x6E80  }
0x4c: {  	[tilespmem:s13], [sflag:$0x2] =	stream.indirect_vreg.gather [hbm4b:s5+s3], $0x80, v3, vm0, $0xb8;
	[tilespmem:$0x10680] =	vst v63  }
0x4d: {  	s1 =	simm.s32 $0x7680  }
0x4e: {  	[tilespmem:s1], [sflag:$0x2] =	stream.indirect_vreg.gather [hbm4b:s6+s3], $0x80, v3, vm0, $0xb8;
	[tilespmem:$0x10680] =	vst v63  }
0x4f: {  	s28 =	simm.s32 $0x50;
	s31 =	simm.s32 $0x0;
	s13 =	simm.s32 $0x7E80  }
0x50: {  	[tilespmem:s13], [sflag:$0x2] =	stream.indirect_vreg.gather [hbm4b:s7+s3], $0x80, v3, vm0, $0xb8;
	[tilespmem:$0x10680] =	vst v63  }
.LBB2_2:
0x51: {  	_ =	swait.ge [sflag:s29], $0x4000  }
0x52: {  	s1 =	sadd.s32 s31, s9;
	[sflag:s29] =	ssyncset.done $0x0  }
0x53: {  	s0 =	simm.s32 $0x680;
	p0 =	seq.s32 s31, $0x0;
	[sflag:s29] =	ssyncadd.s32 $0xFFFFC000  }
0x54: {  	[hbm4b:s1+s3] =	stream.linear.scatter [tilespmem:s0], [sflag:$0x5], $0x4000, $0x38;
	[tilespmem:$0x10680] =	vst v63  }
0x55: {  	s1 =	simm.s32 @!p0 $0x7  }
0x56: {  	_ =	swait.ge @!p0 [sflag:s1], $0x4000  }
0x57: {  	[sflag:s1] =	ssyncset.done @!p0 $0x0  }
0x58: {  	[sflag:s1] =	ssyncadd.s32 @!p0 $0xFFFFC000  }
0x59: {  	v3 =	vld [tilespmem:s28+$0xFFFFFFD0];
	_ =	sdelay $0x4  }
0x5a: {  	v4 =	vshll.u32 v3, $0x3  }
0x5b: {  	v3 =	vand.u32 $0x7, v3;
	v4 =	vand.u32 $0xFFFFFFC0, v4  }
0x5c: {  	v3 =	vor.u32 v3, v4  }
0x5d: {  	v4 =	vperm.xlane v3, v0;
	_ =	sdelay $0x1  }
0x5e: {  	v4 =	vadd.s32 v1, v4;
	_ =	sdelay $0x4  }
0x5f: {  	[tilespmem:s30], [sflag:$0x3] =	stream.indirect_vreg.gather [hbm4b:s2+s3], $0x80, v4, vm0, $0xb8;
	[tilespmem:$0x10680] =	vst v63  }
0x60: {  	s13 =	simm.s32 $0x8E80;
	v3 =	vperm.xlane v3, v2  }
0x61: {  	[tilespmem:s13], [sflag:$0x3] =	stream.indirect_vreg.gather [hbm4b:s5+s3], $0x80, v4, vm0, $0xb8;
	[tilespmem:$0x10680] =	vst v63  }
0x62: {  	s1 =	simm.s32 $0x9680;
	v3 =	vadd.s32 v1, v3  }
0x63: {  	[tilespmem:s1], [sflag:$0x3] =	stream.indirect_vreg.gather [hbm4b:s6+s3], $0x80, v4, vm0, $0xb8;
	[tilespmem:$0x10680] =	vst v63  }
0x64: {  	s13 =	simm.s32 $0x9E80  }
0x65: {  	[tilespmem:s13], [sflag:$0x3] =	stream.indirect_vreg.gather [hbm4b:s7+s3], $0x80, v4, vm0, $0xb8;
	[tilespmem:$0x10680] =	vst v63  }
0x66: {  	s1 =	simm.s32 $0xA680  }
0x67: {  	[tilespmem:s1], [sflag:$0x3] =	stream.indirect_vreg.gather [hbm4b:s2+s3], $0x80, v3, vm0, $0xb8;
	[tilespmem:$0x10680] =	vst v63  }
0x68: {  	_ = 	snop  }
0x69: {  	[tilespmem:s14], [sflag:$0x3] =	stream.indirect_vreg.gather [hbm4b:s5+s3], $0x80, v3, vm0, $0xb8;
	[tilespmem:$0x10680] =	vst v63  }
0x6a: {  	_ = 	snop  }
0x6b: {  	[tilespmem:s15], [sflag:$0x3] =	stream.indirect_vreg.gather [hbm4b:s6+s3], $0x80, v3, vm0, $0xb8;
	[tilespmem:$0x10680] =	vst v63  }
0x6c: {  	_ = 	snop  }
0x6d: {  	[tilespmem:s16], [sflag:$0x3] =	stream.indirect_vreg.gather [hbm4b:s7+s3], $0x80, v3, vm0, $0xb8;
	[tilespmem:$0x10680] =	vst v63  }
0x6e: {  	_ =	swait.ge [sflag:s17], $0x4000  }
0x6f: {  	s1 =	sadd.s32 s31, s10;
	[sflag:s17] =	ssyncset.done $0x0  }
0x70: {  	s0 =	simm.s32 @!p0 $0x8;
	s13 =	sadd.s32 $0x800, s1;
	[sflag:s17] =	ssyncadd.s32 $0xFFFFC000  }
0x71: {  	[hbm4b:s13+s3] =	stream.linear.scatter [tilespmem:s20], [sflag:$0x6], $0x4000, $0x38;
	[tilespmem:$0x10680] =	vst v63  }
0x72: {  	_ =	swait.ge @!p0 [sflag:s0], $0x4000  }
0x73: {  	[sflag:s0] =	ssyncset.done @!p0 $0x0  }
0x74: {  	[sflag:s0] =	ssyncadd.s32 @!p0 $0xFFFFC000  }
0x75: {  	v3 =	vld [tilespmem:s28+$0xFFFFFFE0];
	_ =	sdelay $0x4  }
0x76: {  	v63 =	vshll.u32 v3, $0x3  }
0x77: {  	v3 =	vand.u32 $0x7, v3;
	v4 =	vand.u32 $0xFFFFFFC0, v63  }
0x78: {  	v3 =	vor.u32 v3, v4  }
0x79: {  	v4 =	vperm.xlane v3, v0;
	_ =	sdelay $0x1  }
0x7a: {  	v4 =	vadd.s32 v1, v4;
	_ =	sdelay $0x4  }
0x7b: {  	[tilespmem:s18], [sflag:$0x4] =	stream.indirect_vreg.gather [hbm4b:s2+s3], $0x80, v4, vm0, $0xb8;
	[tilespmem:$0x10680] =	vst v63  }
0x7c: {  	v3 =	vperm.xlane v3, v2  }
0x7d: {  	[tilespmem:s19], [sflag:$0x4] =	stream.indirect_vreg.gather [hbm4b:s5+s3], $0x80, v4, vm0, $0xb8;
	[tilespmem:$0x10680] =	vst v63  }
0x7e: {  	v3 =	vadd.s32 v1, v3  }
0x7f: {  	[tilespmem:s4], [sflag:$0x4] =	stream.indirect_vreg.gather [hbm4b:s6+s3], $0x80, v4, vm0, $0xb8;
	[tilespmem:$0x10680] =	vst v63  }
0x80: {  	_ = 	snop  }
0x81: {  	[tilespmem:s8], [sflag:$0x4] =	stream.indirect_vreg.gather [hbm4b:s7+s3], $0x80, v4, vm0, $0xb8;
	[tilespmem:$0x10680] =	vst v63  }
0x82: {  	_ = 	snop  }
0x83: {  	[tilespmem:s11], [sflag:$0x4] =	stream.indirect_vreg.gather [hbm4b:s2+s3], $0x80, v3, vm0, $0xb8;
	[tilespmem:$0x10680] =	vst v63  }
0x84: {  	_ = 	snop  }
0x85: {  	[tilespmem:s12], [sflag:$0x4] =	stream.indirect_vreg.gather [hbm4b:s5+s3], $0x80, v3, vm0, $0xb8;
	[tilespmem:$0x10680] =	vst v63  }
0x86: {  	_ = 	snop  }
0x87: {  	[tilespmem:s21], [sflag:$0x4] =	stream.indirect_vreg.gather [hbm4b:s6+s3], $0x80, v3, vm0, $0xb8;
	[tilespmem:$0x10680] =	vst v63  }
0x88: {  	_ = 	snop  }
0x89: {  	[tilespmem:s22], [sflag:$0x4] =	stream.indirect_vreg.gather [hbm4b:s7+s3], $0x80, v3, vm0, $0xb8;
	[tilespmem:$0x10680] =	vst v63  }
0x8a: {  	_ =	swait.ge [sflag:s23], $0x4000  }
0x8b: {  	[sflag:s23] =	ssyncset.done $0x0  }
0x8c: {  	s13 =	sadd.s32 $0x1000, s1;
	[sflag:s23] =	ssyncadd.s32 $0xFFFFC000  }
0x8d: {  	[hbm4b:s13+s3] =	stream.linear.scatter [tilespmem:s30], [sflag:$0x7], $0x4000, $0x38;
	[tilespmem:$0x10680] =	vst v63  }
0x8e: {  	_ =	swait.ge [sflag:s24], $0x4000  }
0x8f: {  	[sflag:s24] =	ssyncset.done $0x0  }
0x90: {  	p0 =	seq.s32 s31, $0x30000;
	[sflag:s24] =	ssyncadd.s32 $0xFFFFC000  }
0x91: {  	v3 =	vld @!p0 [tilespmem:s28+$0xFFFFFFF0];
	_ =	sdelay $0x4  }
0x92: {  	v4 =	vshll.u32 @!p0 v3, $0x3  }
0x93: {  	v5 =	vlaneseq.u32 @!p0;
	v3 =	vand.u32 @!p0 $0x7, v3;
	v4 =	vand.u32 @!p0 $0xFFFFFFC0, v4  }
0x94: {  	v6 =	vshrl.u32 @!p0 v5, $0x3;
	v3 =	vor.u32 @!p0 v3, v4;
	v4 =	vand.u32 @!p0 $0x7, v5  }
0x95: {  	v6 =	vmul.u32 @!p0 $0x8, v6;
	v4 =	vperm.xlane @!p0 v3, v4;
	_ =	sdelay $0x1  }
0x96: {  	v4 =	vadd.s32 @!p0 v6, v4;
	_ =	sdelay $0x3  }
0x97: {  	vm1 =	vmmov @!p0 $0xffff;
	s0 =	simm.s32 @!p0 $0x0;
	s13 =	simm.s32 @!p0 $0x680  }
0x98: {  	v5 =	vor.u32 @!p0 $0x8, v5;
	[tilespmem:s13], [sflag:$0x1] =	stream.indirect_vreg.gather @!p0 [hbm4b:s2+s0], $0x80, v4, vm1, $0xb8;
	[tilespmem:$0x10680] =	vst v63  }
0x99: {  	v3 =	vperm.xlane @!p0 v3, v5;
	s13 =	simm.s32 @!p0 $0xE80  }
0x9a: {  	[tilespmem:s13], [sflag:$0x1] =	stream.indirect_vreg.gather @!p0 [hbm4b:s5+s0], $0x80, v4, vm1, $0xb8;
	[tilespmem:$0x10680] =	vst v63  }
0x9b: {  	v3 =	vadd.s32 @!p0 v6, v3;
	s13 =	simm.s32 @!p0 $0x1680  }
0x9c: {  	[tilespmem:s13], [sflag:$0x1] =	stream.indirect_vreg.gather @!p0 [hbm4b:s6+s0], $0x80, v4, vm1, $0xb8;
	[tilespmem:$0x10680] =	vst v63  }
0x9d: {  	s13 =	simm.s32 @!p0 $0x1E80  }
0x9e: {  	[tilespmem:s13], [sflag:$0x1] =	stream.indirect_vreg.gather @!p0 [hbm4b:s7+s0], $0x80, v4, vm1, $0xb8;
	[tilespmem:$0x10680] =	vst v63  }
0x9f: {  	s13 =	simm.s32 @!p0 $0x2680  }
0xa0: {  	[tilespmem:s13], [sflag:$0x1] =	stream.indirect_vreg.gather @!p0 [hbm4b:s2+s0], $0x80, v3, vm1, $0xb8;
	[tilespmem:$0x10680] =	vst v63  }
0xa1: {  	s13 =	simm.s32 @!p0 $0x2E80  }
0xa2: {  	[tilespmem:s13], [sflag:$0x1] =	stream.indirect_vreg.gather @!p0 [hbm4b:s5+s0], $0x80, v3, vm1, $0xb8;
	[tilespmem:$0x10680] =	vst v63  }
0xa3: {  	s13 =	simm.s32 @!p0 $0x3680  }
0xa4: {  	[tilespmem:s13], [sflag:$0x1] =	stream.indirect_vreg.gather @!p0 [hbm4b:s6+s0], $0x80, v3, vm1, $0xb8;
	[tilespmem:$0x10680] =	vst v63  }
0xa5: {  	s13 =	simm.s32 @!p0 $0x3E80  }
0xa6: {  	[tilespmem:s13], [sflag:$0x1] =	stream.indirect_vreg.gather @!p0 [hbm4b:s7+s0], $0x80, v3, vm1, $0xb8;
	[tilespmem:$0x10680] =	vst v63  }
0xa7: {  	_ =	swait.ge [sflag:s25], $0x4000  }
0xa8: {  	[sflag:s25] =	ssyncset.done $0x0  }
.Ltmp2:
0xa9: {  	s13 =	sadd.s32 $0x1800, s1;
	[sflag:s25] =	ssyncadd.s32 $0xFFFFC000;
	(pc) =	sbr.rel @p0 .LBB2_4-.Ltmp2, $4  }
0xaa: {  	[hbm4b:s13+s3] =	stream.linear.scatter [tilespmem:s18], [sflag:$0x8], $0x4000, $0x38;
	[tilespmem:$0x10680] =	vst v63  }
0xab: {  	_ =	swait.ge [sflag:s26], $0x4000  }
0xac: {  	[sflag:s26] =	ssyncset.done $0x0  }
0xad: {  	[sflag:s26] =	ssyncadd.s32 $0xFFFFC000  }
0xae: {  	v3 =	vld [tilespmem:s28+$0x0];
	_ =	sdelay $0x4  }
0xaf: {  	v4 =	vshll.u32 v3, $0x3  }
0xb0: {  	v3 =	vand.u32 $0x7, v3;
	v4 =	vand.u32 $0xFFFFFFC0, v4  }
0xb1: {  	v3 =	vor.u32 v3, v4  }
0xb2: {  	v4 =	vperm.xlane v3, v0;
	_ =	sdelay $0x1  }
0xb3: {  	v4 =	vadd.s32 v1, v4;
	_ =	sdelay $0x4  }
0xb4: {  	[tilespmem:s20], [sflag:$0x2] =	stream.indirect_vreg.gather [hbm4b:s2+s3], $0x80, v4, vm0, $0xb8;
	[tilespmem:$0x10680] =	vst v63  }
0xb5: {  	s0 =	simm.s32 $0x4E80;
	v3 =	vperm.xlane v3, v2  }
0xb6: {  	[tilespmem:s0], [sflag:$0x2] =	stream.indirect_vreg.gather [hbm4b:s5+s3], $0x80, v4, vm0, $0xb8;
	[tilespmem:$0x10680] =	vst v63  }
0xb7: {  	s1 =	simm.s32 $0x5680;
	v3 =	vadd.s32 v1, v3  }
0xb8: {  	[tilespmem:s1], [sflag:$0x2] =	stream.indirect_vreg.gather [hbm4b:s6+s3], $0x80, v4, vm0, $0xb8;
	[tilespmem:$0x10680] =	vst v63  }
0xb9: {  	s13 =	simm.s32 $0x5E80  }
0xba: {  	[tilespmem:s13], [sflag:$0x2] =	stream.indirect_vreg.gather [hbm4b:s7+s3], $0x80, v4, vm0, $0xb8;
	[tilespmem:$0x10680] =	vst v63  }
0xbb: {  	s1 =	simm.s32 $0x6680  }
0xbc: {  	[tilespmem:s1], [sflag:$0x2] =	stream.indirect_vreg.gather [hbm4b:s2+s3], $0x80, v3, vm0, $0xb8;
	[tilespmem:$0x10680] =	vst v63  }
0xbd: {  	s13 =	simm.s32 $0x6E80  }
0xbe: {  	[tilespmem:s13], [sflag:$0x2] =	stream.indirect_vreg.gather [hbm4b:s5+s3], $0x80, v3, vm0, $0xb8;
	[tilespmem:$0x10680] =	vst v63  }
.Ltmp3:
0xbf: {  	_ = 	snop;
	(pc) =	sbr.rel .LBB2_2-.Ltmp3, $4  }
0xc0: {  	s1 =	simm.s32 $0x7680  }
0xc1: {  	[tilespmem:s1], [sflag:$0x2] =	stream.indirect_vreg.gather [hbm4b:s6+s3], $0x80, v3, vm0, $0xb8;
	[tilespmem:$0x10680] =	vst v63  }
0xc2: {  	s31 =	sadd.s32 $0x2000, s31;
	s28 =	sadd.s32 $0x40, s28;
	s13 =	simm.s32 $0x7E80  }
0xc3: {  	[tilespmem:s13], [sflag:$0x2] =	stream.indirect_vreg.gather [hbm4b:s7+s3], $0x80, v3, vm0, $0xb8;
	[tilespmem:$0x10680] =	vst v63  }
.LBB2_5:
0xc4: {  	_ =	sfence.sel $0x180000  }
0xc5: {  	[bflag:$0x0] =	sbarrier.arrive $0xFFFF  }
0xc6: {  	_ =	strace $0x90000047  }
0xc7: {  	s0 =	stileid.u32;
	[bflag:$0x2] =	sbarrier.arrive $0xFFFF  }
0xc8: {  	p0 =	sne.s32 s0, $0x0;
	s0 =	rddreg [dreg:$0x2]  }
0xc9: {  	s0 =	sadd.s32 @!p0 $0x100000, s0  }
0xca: {  	[sflag:s0] =	ssyncadd.tile.s32 @!p0 $0x1;
	_ =	shalt  }
.Lfunc_end2:
_tile_overlayer_lowered:
.L_overlay_start_2:
0xcb: {  	(tag) =	ssettag $0x2  }
0xcc: {  	s0 =	rddreg [dreg:$0x0];
	s2 =	stileid.u32  }
0xcd: {  	s1 =	rddreg [dreg:$0x1];
	p0 =	sne.s32 s2, $0x0  }
0xce: {  	s3 =	rddreg [dreg:$0x2];
	[bflag:$0x3] =	sbarrier.arrive $0xFFFF;
	s2 =	simm.s32 @!p0 $0x1C09  }
0xcf: {  	[timem:s3], [sflag:s2] =	dma.local @!p0 [hbm:s0], s1  }
0xd0: {  	s0 =	simm.s32 @!p0 $0x9  }
0xd1: {  	_ =	swait.ge @!p0 [sflag:s0], s1  }
0xd2: {  	s1 =	ssub.s32 @!p0 $0x0, s1;
	[sflag:s0] =	ssyncset.done @!p0 $0x0  }
0xd3: {  	[sflag:s0] =	ssyncadd.s32 @!p0 s1  }
0xd4: {  	[bflag:$0x3] =	sbarrier.arrive $0xFFFF  }
0xd5: {  	_ =	shalt  }

// kernel: sparse-core-data-format-call.cloned.1.call-start
scs
called_computation_lowered:
.L_overlay_start_0:
0x0: {  	s2 =	sld [smem:$0x3FD9]  }
0x1: {  	s3 =	sld [smem:$0x3FFE];
	_ =	sdelay $0x1  }
0x2: {  	s1 =	srdreg.scid  }
0x3: {  	s0 =	sand.u32 $0x1, s1  }
0x4: {  	s15 =	sshll.u32 s0, $0xA;
	s2 =	sadd.s32 s3, s2  }
0x5: {  	s2 =	sadd.s32 s2, s15  }
0x6: {  	[smem:$0x3FC6] =	sst s2  }
0x7: {  	_ = 	snop  }
0x8: {  	s2 =	sld [smem:$0x3FD0];
	_ =	sdelay $0x2  }
0x9: {  	s16 =	simm.s32 $0xA;
	s4 =	simm.s32 $0x10  }
0xa: {  	[smem:s4], [sflag:s16] =	dma.local [hbm:s2], $0x1  }
0xb: {  	_ =	swait.eq [sflag:s16], $0x1  }
0xc: {  	[sflag:s16] =	ssyncset.done $0x0  }
0xd: {  	[sflag:s16] =	ssyncadd.s32 $0xFFFFFFFF  }
0xe: {  	s17 =	sld [smem:$0x10];
	(tm) =	ssettm $0x1  }
0xf: {  	s18 =	sld [smem:$0x3FFB];
	_ =	sdelay $0x3  }
0x10: {  	_ =	strace s18  }
0x11: {  	s3 =	sld [smem:$0x3FFC];
	_ =	sdelay $0x3  }
0x12: {  	_ =	strace s3  }
0x13: {  	s3 =	sld [smem:$0x3FFD];
	_ =	sdelay $0x3  }
0x14: {  	_ =	strace s3  }
0x15: {  	_ =	strace $0x8FFFFFFF  }
0x16: {  	s19 =	sld [smem:$0x3FDB];
	_ =	sdelay $0x1  }
0x17: {  	s20 =	simm.s32 $_scs_section_size  }
0x18: {  	s5 =	simm.s32 $_size__tile_overlayer_lowered;
	s6 =	simm.s32 $_tile_overlayer_lowered  }
0x19: {  	s23 =	simm.s32 $0x1BFF;
	s22 =	sshll.u32 s6, $0x1;
	s3 =	sadd.s32 s20, s19  }
0x1a: {  	s7 =	simm.s32 $0x0;
	s21 =	sshll.u32 s5, $0x1;
	s5 =	sadd.s32 s22, s3  }
0x1b: {  	[timem:s7], [sflag:s23] =	dma.local [hbm:s5], s21  }
0x1c: {  	_ =	swait.ge [sflag:s23], s21  }
0x1d: {  	s4 =	ssub.s32 $0x0, s21;
	[sflag:s23] =	ssyncset.done $0x0  }
0x1e: {  	[sflag:s23] =	ssyncadd.s32 s4;
	_ =	sdelay $0x1  }
0x1f: {  	s24 =	simm.s32 $0x1B8B  }
0x20: {  	_ =	swait.ge [sflag:s24], $0x1  }
0x21: {  	[sflag:s24] =	ssyncset.done $0x0  }
0x22: {  	s26 =	simm.s32 $0x1B8E;
	s25 =	sld [smem:$0x3FFE];
	[sflag:s24] =	ssyncadd.s32 $0xFFFFFFFF  }
0x23: {  	s27 =	simm.s32 $execute0_lowered;
	[smem:$0x3FD2] =	sst s26  }
0x24: {  	s5 =	sshll.u32 s27, $0x1;
	_ =	strace $0x80000049;
	[dreg:$0x1] =	wrdreg $0xFFFFFFFF  }
0x25: {  	s28 =	simm.s32 $_size_execute0_lowered;
	s3 =	sadd.s32 s3, s5;
	[dreg:$0x0] =	wrdreg $0x0  }
0x26: {  	s5 =	sshll.u32 s28, $0x1;
	[dreg:$0x2] =	wrdreg s3  }
0x27: {  	[dreg:$0x3] =	wrdreg s5  }
0x28: {  	[dreg:$0x4] =	wrdreg $0xC0  }
0x29: {  	_ =	task [dreg:s7], $0x5FFFF  }
0x2a: {  	[dreg:$0x1] =	wrdreg $0xFFFFFFFF  }
0x2b: {  	[dreg:$0x0] =	wrdreg $0x60  }
0x2c: {  	[dreg:$0x2] =	wrdreg s25  }
0x2d: {  	[dreg:$0x3] =	wrdreg s17  }
0x2e: {  	[dreg:$0x4] =	wrdreg $0x9  }
0x2f: {  	_ =	task.clear_ibuf [dreg:s7], $0x5FFFF;
	_ =	strace $0x90000049  }
0x30: {  	s29 =	simm.s32 $0x9;
	_ =	strace $0x8000004B  }
0x31: {  	_ =	swait.ge [sflag:s29], $0x1  }
0x32: {  	[sflag:s29] =	ssyncadd.s32 $0xFFFFFFFF  }
0x33: {  	_ =	strace $0x9000004B  }
0x34: {  	_ =	sfence  }
0x35: {  	s30 =	sld [smem:$0x0];
	_ =	sdelay $0x2  }
0x36: {  	s31 =	sshll.u32 s1, $0xD;
	s1 =	sshrl.u32 s1, $0x2  }
0x37: {  	s3 =	sand.u32 $0x4000, s31;
	s1 =	sadd.s32 s1, s30  }
0x38: {  	s0 =	sor.u32 s3, s0;
	s1 =	sshll.u32 s1, $0x11  }
0x39: {  	s0 =	sor.u32 s1, s0  }
0x3a: {  	s0 =	sadd.s32 $0x8F2B, s0  }
0x3b: {  	[sflag:s0] =	ssyncadd.remote.s32 $0x1  }
0x3c: {  	_ =	sfence.sel $0xFFFF  }
0x3d: {  	[dreg:$0x0] =	wrdreg $0xFFFFFFFF;
	(pc) =	sbr.abs _section_cstart, $3  }
0x3e: {  	[dreg:$0x1] =	wrdreg $0xFFFFFFFF  }
0x3f: {  	_ =	task.clear_ibuf [dreg:s7], $0x2FFFF;
	_ =	strace $0x9FFFFFFF  }
0x40: {  	(tm) =	ssettm $0x7FFFFFFF  }
0x41: {  	_ =	shalt  }
tec
execute0_lowered:
.L_overlay_start_1:
0x0: {  	(tag) =	ssettag $0x1  }
0x1: {  	s4 =	rddreg [dreg:$0x0]  }
0x2: {  	s2 =	rddreg [dreg:$0x1];
	s1 =	stileid.u32  }
0x3: {  	s3 =	srdreg.scid;
	s0 =	rddreg [dreg:$0x2];
	_ =	strace $0x8000004A  }
0x4: {  	s10 =	simm.s32 $0x2;
	s14 =	simm.s32 $0x0;
	s16 =	simm.s32 $0x0  }
0x5: {  	s12 =	simm.s32 $0x0;
	s15 =	simm.s32 $0x0;
	s3 =	sshll.u32 s3, $0x4  }
0x6: {  	s5 =	sshll.u32 s1, $0x7;
	s4 =	sadd.s32 $0x6800, s4;
	s6 =	sand.u32 $0x10, s3  }
0x7: {  	s3 =	sand.u32 $0x180, s5;
	s5 =	simm.s32 $0x1;
	s8 =	sor.u32 s1, s6  }
0x8: {  	s31 =	ssub.s32 $0xC800, s3;
	[sflag:s5] =	ssyncpa.u1 $0x0;
	s13 =	smov.u32 s3  }
.Ltmp0:
0x9: {  	s7 =	sshll.u32 s8, $0x5;
	s9 =	sand.u32 $0x180, s31;
	(pc) =	sbr.rel .LBB1_1-.Ltmp0, $4  }
0xa: {  	s11 =	sshrl.u32 s31, $0x9;
	p0 =	sne.s32 s9, $0x0;
	s9 =	simm.s32 $0x1  }
0xb: {  	[sflag:s10] =	ssyncpa.u1 $0x0;
	s8 =	sshll.u32 s8, $0x8;
	s9 =	simm.s32 @!p0 $0x0  }
0xc: {  	s10 =	simm.s32 $0x64000;
	s6 =	sand.u32 $0x380, s7;
	s7 =	sadd.s32 s9, s11  }
0xd: {  	p0 =	por $0x0, $0x0;
	s11 =	simm.s32 $0x0;
	s9 =	sadd.s32 $0x1, s7  }
.LBB1_4:
0xe: {  	s22 =	sshrl.u32 s11, $0x3  }
0xf: {  	s23 =	sshll.u32 s12, $0x3;
	s24 =	sand.u32 $0x7F, s12;
	s22 =	smul.u32 $0x64000, s22  }
0x10: {  	v5 =	vld [tilespmem:s18+$0xFFFFFFD0];
	s21 =	sshra.s32 s21, $0x2;
	s25 =	sshra.s32 s12, $0x1F;
	s23 =	sand.u32 $0xFFFFFC00, s23  }
0x11: {  	[tilespmem:s20+$0x2040 ss:$0x81] =	vst.msk $0xffff, v4;
	v58 =	vld [tilespmem:s18+$0xFFFFFFE0];
	p1 =	sgt.s32 s12, $0xC780;
	s25 =	sand.u32 s25, s12;
	s22 =	sadd.s32 s23, s22  }
0x12: {  	[tilespmem:s20+$0x2850 ss:$0x81] =	vst.msk $0xffff, v3;
	v59 =	vld [tilespmem:s18+$0xFFFFFFF0];
	s23 =	sor.u32 s24, s22;
	s22 =	smulhi.u32 $0x51EB851F, s22;
	s24 =	smov.u32 s12  }
0x13: {  	[tilespmem:s20+$0x3060 ss:$0x81] =	vst.msk $0xffff, v2;
	v60 =	vld [tilespmem:s18+$0x0];
	s19 =	sadd.s32 s21, s19;
	s26 =	smulhi.u32 $0x51EB851F, s23;
	s24 =	simm.s32 @!p1 $0xC780  }
0x14: {  	[tilespmem:s20+$0x0 ss:$0x81] =	vst.msk $0xffff, v0;
	v61 =	vld [tilespmem:s18+$0x10];
	p1 =	sgt.s32 s11, $0x368;
	s28 =	sshrl.u32 s22, $0xE;
	s29 =	ssub.s32 s24, s25  }
0x15: {  	[tilespmem:s19+$0x3870 ss:$0x81] =	vst.msk $0xffff, v1;
	s30 =	sshrl.u32 s26, $0xE;
	s31 =	smulhi.u32 $0x418938, s28;
	s25 =	sadd.s32 $0xFFFF3880, s29  }
0x16: {  	v62 =	vld [tilespmem:s18+$0x20];
	[tilespmem:s19+$0x810 ss:$0x81] =	vst.msk $0xffff, v5;
	s22 =	smul.u32 $0xC800, s30;
	p2 =	sgt.s32 s25, $0x7F;
	s25 =	smov.u32 s11  }
0x17: {  	v63 =	vld [tilespmem:s18+$0xFFFFFFC0];
	[tilespmem:s19+$0x1020 ss:$0x81] =	vst.msk $0xffff, v58;
	s21 =	ssub.s32 $0xC800, s29;
	s25 =	simm.s32 @!p1 $0x368;
	s26 =	smul.u32 $0x3E8, s31  }
0x18: {  	[tilespmem:s19+$0x1830 ss:$0x81] =	vst.msk $0xffff, v59;
	s21 =	simm.s32 @p2 $0x0;
	s27 =	ssub.s32 $0x3E8, s25  }
0x19: {  	[tilespmem:s19+$0x2040 ss:$0x81] =	vst.msk $0xffff, v60;
	s22 =	ssub.s32 s23, s22;
	s18 =	ssub.s32 s28, s26;
	s28 =	smul.u32 s27, s21  }
0x1a: {  	[tilespmem:s19+$0x2850 ss:$0x81] =	vst.msk $0xffff, v61;
	s29 =	sshrl.u32 s22, $0x3;
	s22 =	sand.u32 $0x7, s22;
	s18 =	smul.u32 $0x1900, s18  }
0x1b: {  	[tilespmem:s19+$0x3060 ss:$0x81] =	vst.msk $0xffff, v62;
	s21 =	sadd.s32 s2, s29;
	s22 =	sshll.u32 s22, $0x12  }
0x1c: {  	[tilespmem:s19+$0x0 ss:$0x81] =	vst.msk $0xffff, v63;
	s30 =	sand.u32 $0x3FFFFFF8, s28;
	s31 =	sor.u32 $0x400, s22;
	s18 =	sadd.s32 s18, s21  }
0x1d: {  	[hbm4b:s18+s31] =	stream.strided.scatter [tilespmem:s17], [sflag:$0x2], s30, s10, s31, $0x20;
	[tilespmem:$0x10100] =	vst v63  }
.LBB1_5:
0x1e: {  	p1 =	slt.u32 s15, $0x2  }
0x1f: {  	p2 =	sgt.s32 @!p1 s16, $0xC780  }
0x20: {  	s17 =	smov.u32 s16;
	s18 =	sshra.s32 @!p1 s16, $0x1F;
	p2 =	por !p2, p1  }
0x21: {  	s16 =	sand.u32 @!p1 s18, s16;
	s17 =	simm.s32 @p2 $0xC780  }
0x22: {  	s16 =	ssub.s32 @!p1 s17, s16  }
0x23: {  	p2 =	sgt.s32 @!p1 s14, $0x368;
	s17 =	sadd.s32 @!p1 $0xFFFF3880, s16  }
0x24: {  	s18 =	sadd.s32 $0x200, s13;
	p2 =	por !p2, p1;
	p3 =	sgt.s32 @!p1 s17, $0x7F  }
0x25: {  	s14 =	simm.s32 @p2 $0x368;
	s16 =	ssub.s32 @!p1 $0xC800, s16;
	p2 =	por !p3, p1  }
0x26: {  	s14 =	ssub.s32 @!p1 $0x3E8, s14;
	s16 =	simm.s32 @!p2 $0x0;
	p2 =	sgt.s32 s18, $0xC7FF  }
0x27: {  	s14 =	smul.u32 @!p1 s14, s16;
	s18 =	smov.u32 @p2 s3;
	p2 =	sne.s32 s15, s9  }
.Ltmp1:
0x28: {  	s20 =	sadd.s32 $0x1, s15;
	p0 =	por !p0, !p0;
	(pc) =	sbr.rel @!p2 .LBB1_6-.Ltmp1, $4  }
0x29: {  	s17 =	simm.s32 @!p1 $0x2;
	s16 =	smov.u32 s12;
	s14 =	sand.u32 @!p1 $0x3FFFFFFF, s14  }
0x2a: {  	s12 =	smov.u32 s13;
	s15 =	smov.u32 s20;
	_ =	swait.ge @!p1 [sflag:s17], s14  }
0x2b: {  	s13 =	smov.u32 s18;
	s19 =	ssub.s32 @!p1 $0x0, s14;
	[sflag:s17] =	ssyncset.done @!p1 $0x0  }
0x2c: {  	s14 =	smov.u32 s11;
	s11 =	smov.u32 s6;
	[sflag:s17] =	ssyncadd.s32 @!p1 s19  }
.LBB1_1:
0x2d: {  	p1 =	sge.u32 s15, s7  }
0x2e: {  	s17 =	sshll.u32 @!p1 s13, $0xA  }
0x2f: {  	s17 =	sand.u32 @!p1 $0xFFFFE000, s17  }
0x30: {  	s17 =	sor.u32 @!p1 s8, s17  }
0x31: {  	s17 =	sshrl.u32 @!p1 s17, $0xA  }
0x32: {  	s18 =	smulhi.u32 @!p1 $0x28F5C3, s17;
	_ =	sdelay $0x1  }
0x33: {  	s18 =	sshrl.u32 @!p1 s18, $0x5  }
0x34: {  	s18 =	smul.u32 @!p1 $0xC800, s18  }
0x35: {  	s31 =	sadd.s32 $0xFFFFFFFF, s15;
	s19 =	sxor.u32 @!p1 $0xFFFFFFFF, s15;
	s20 =	sshll.u32 @!p1 s13, $0x4  }
0x36: {  	s19 =	sshll.u32 @!p1 s19, $0xE;
	s17 =	ssub.s32 @!p1 s17, s18;
	s18 =	sand.u32 @!p1 $0x70, s20  }
0x37: {  	s19 =	sand.u32 @!p1 $0x4000, s19;
	s17 =	sshll.u32 @!p1 s17, $0x7;
	s18 =	sadd.s32 @!p1 s4, s18  }
0x38: {  	s20 =	simm.s32 @!p1 $0x2000;
	s17 =	sadd.s32 @!p1 s17, s18;
	s18 =	simm.s32 @!p1 $0x400  }
0x39: {  	[tilespmem:s19], [sflag:$0x1] =	stream.strided.gather @!p1 [hbm4b:s17+s18], $0x4000, s20, s18, $0x38;
	[tilespmem:$0x10100] =	vst v63  }
0x3a: {  	p1 =	sge.u32 s31, s7  }
.Ltmp2:
0x3b: {  	_ = 	snop;
	(pc) =	sbr.rel @p1 .LBB1_5-.Ltmp2, $1  }
0x3c: {  	_ =	sdelay $0x3  }
0x3d: {  	s17 =	simm.s32 $0x1  }
0x3e: {  	_ =	swait.ge [sflag:s5], $0x4000;
	s17 =	simm.s32 @!p0 $0x0  }
0x3f: {  	[sflag:s5] =	ssyncset.done $0x0;
	s18 =	sshll.u32 s17, $0xE  }
0x40: {  	[sflag:s5] =	ssyncadd.s32 $0xFFFFC000;
	s18 =	sor.u32 $0x40, s18  }
0x41: {  	s17 =	smul.u32 $0x10200, s17;
	v0 =	vld [tilespmem:s18+$0x30]  }
0x42: {  	v1 =	vld [tilespmem:s18+$0xFFFFFFD0]  }
0x43: {  	s17 =	sshrl.u32 s17, $0x2;
	v5 =	vld [tilespmem:s18+$0xFFFFFFE0]  }
0x44: {  	v6 =	vld [tilespmem:s18+$0xFFFFFFF0];
	s19 =	sor.u32 $0x8000, s17  }
0x45: {  	s31 =	sand.u32 $0x1, s15;
	v4 =	vld [tilespmem:s18+$0x0];
	s20 =	sadd.s32 $0x0, s19  }
0x46: {  	v3 =	vld [tilespmem:s18+$0x10];
	s17 =	smul.u32 $0x10200, s31;
	[tilespmem:s20+$0x3870 ss:$0x81] =	vst.msk $0xffff, v0  }
0x47: {  	v2 =	vld [tilespmem:s18+$0x20];
	[tilespmem:s20+$0x810 ss:$0x81] =	vst.msk $0xffff, v1  }
0x48: {  	s17 =	sshrl.u32 s17, $0x2;
	v0 =	vld [tilespmem:s18+$0xFFFFFFC0];
	[tilespmem:s20+$0x1020 ss:$0x81] =	vst.msk $0xffff, v5;
	s18 =	sadd.s32 $0x80, s18  }
0x49: {  	s21 =	simm.s32 $0x4;
	s22 =	simm.s32 $0x8;
	s17 =	sor.u32 $0x8000, s17;
	[tilespmem:s20+$0x1830 ss:$0x81] =	vst.msk $0xffff, v6;
	v1 =	vld [tilespmem:s18+$0x30]  }
.LBB1_3:
0x4a: {  	p1 =	sne.s32 s22, $0x1FC;
	v5 =	vld [tilespmem:s18+$0xFFFFFFD0];
	[tilespmem:s20+$0x2040 ss:$0x81] =	vst.msk $0xffff, v4  }
0x4b: {  	v6 =	vld [tilespmem:s18+$0xFFFFFFE0];
	[tilespmem:s20+$0x2850 ss:$0x81] =	vst.msk $0xffff, v3  }
0x4c: {  	s23 =	sshra.s32 s21, $0x2;
	s21 =	smov.u32 s22;
	v7 =	vld [tilespmem:s18+$0xFFFFFFF0];
	[tilespmem:s20+$0x3060 ss:$0x81] =	vst.msk $0xffff, v2  }
.Ltmp3:
0x4d: {  	v4 =	vld [tilespmem:s18+$0x0];
	[tilespmem:s20+$0x0 ss:$0x81] =	vst.msk $0xffff, v0;
	s20 =	sadd.s32 s23, s19;
	(pc) =	sbr.rel @p1 .LBB1_3-.Ltmp3, $4  }
0x4e: {  	v3 =	vld [tilespmem:s18+$0x10];
	[tilespmem:s20+$0x3870 ss:$0x81] =	vst.msk $0xffff, v1  }
0x4f: {  	[tilespmem:s20+$0x810 ss:$0x81] =	vst.msk $0xffff, v5;
	v2 =	vld [tilespmem:s18+$0x20]  }
0x50: {  	v0 =	vld [tilespmem:s18+$0xFFFFFFC0];
	[tilespmem:s20+$0x1020 ss:$0x81] =	vst.msk $0xffff, v6;
	s18 =	sadd.s32 $0x80, s18  }
0x51: {  	s22 =	sadd.s32 $0x4, s22;
	v1 =	vld [tilespmem:s18+$0x30];
	[tilespmem:s20+$0x1830 ss:$0x81] =	vst.msk $0xffff, v7  }
.Ltmp4:
0x52: {  	_ = 	snop;
	(pc) =	sbr.rel .LBB1_4-.Ltmp4, $1  }
0x53: {  	_ =	sdelay $0x3  }
.LBB1_6:
0x54: {  	_ =	sfence.sel $0x180000  }
0x55: {  	s2 =	simm.s32 $0x1;
	[bflag:$0x0] =	sbarrier.arrive $0xFFFF  }
0x56: {  	s31 =	simm.s32 $0x2;
	[sflag:s2] =	ssyncpa.u1 $0x1  }
0x57: {  	[sflag:s31] =	ssyncpa.u1 $0x1  }
0x58: {  	p0 =	sne.s32 s1, $0x0;
	_ =	strace $0x9000004A  }
0x59: {  	s0 =	sadd.s32 @!p0 $0x100000, s0;
	[bflag:$0x2] =	sbarrier.arrive $0xFFFF  }
0x5a: {  	[sflag:s0] =	ssyncadd.tile.s32 @!p0 $0x1;
	_ =	shalt  }
.Lfunc_end1:
_tile_overlayer_lowered:
.L_overlay_start_2:
0x5b: {  	(tag) =	ssettag $0x2  }
0x5c: {  	s0 =	rddreg [dreg:$0x0];
	s2 =	stileid.u32  }
0x5d: {  	s1 =	rddreg [dreg:$0x1];
	p0 =	sne.s32 s2, $0x0  }
0x5e: {  	s3 =	rddreg [dreg:$0x2];
	[bflag:$0x3] =	sbarrier.arrive $0xFFFF;
	s2 =	simm.s32 @!p0 $0x1C01  }
0x5f: {  	[timem:s3], [sflag:s2] =	dma.local @!p0 [hbm:s0], s1  }
0x60: {  	s0 =	simm.s32 @!p0 $0x1  }
0x61: {  	_ =	swait.ge @!p0 [sflag:s0], s1  }
0x62: {  	s1 =	ssub.s32 @!p0 $0x0, s1;
	[sflag:s0] =	ssyncset.done @!p0 $0x0  }
0x63: {  	[sflag:s0] =	ssyncadd.s32 @!p0 s1  }
0x64: {  	[bflag:$0x3] =	sbarrier.arrive $0xFFFF  }
0x65: {  	_ =	shalt  }

</sc_bundles>
